<compile_context>
chip_gen: v7x
topology: tpu7x:2x2x1
jax: 0.10.2.dev20260603
libtpu: 0.0.44.dev20260713+nightly
codegen_flags: <defaults>
</compile_context>

<pallas_src>
import jax
import jax.numpy as jnp
from jax import lax
from jax.experimental import pallas as pl
from jax.experimental.pallas import tpu as pltpu
from jax.experimental.pallas import tpu_sc as plsc

ITEM_NUM = 100000
FACTORS = 128
BATCH = 16384
HIST = 50

NC = 2
NS = 16
NW = NC * NS

CHUNK = 128
TOTAL = BATCH * HIST
PER_W = TOTAL // NW
K = PER_W // CHUNK
NBUF = 5
LAG = 0


def _emb_body(table_hbm, idx_hbm, out_hbm, idx_v, rows_v, *sems):
    gsems = sems[:NBUF]
    osems = sems[NBUF:]
    wid = lax.axis_index("s") * NC + lax.axis_index("c")

    pltpu.sync_copy(idx_hbm.at[wid], idx_v)

    def start_gather(t, b):
        pltpu.async_copy(table_hbm.at[idx_v.at[t]], rows_v.at[b], gsems[b])

    def wait_gather(t, b):
        pltpu.make_async_copy(
            table_hbm.at[idx_v.at[t]], rows_v.at[b], gsems[b]).wait()

    def start_write(t, b):
        pltpu.async_copy(rows_v.at[b], out_hbm.at[wid * K + t], osems[b])

    def wait_write(t, b):
        pltpu.make_async_copy(
            rows_v.at[b], out_hbm.at[wid * K + t], osems[b]).wait()

    for b in range(NBUF):
        start_gather(b, b)

    for t in range(LAG):
        wait_gather(t, t % NBUF)
        start_write(t, t % NBUF)

    @pl.loop(LAG, K - NBUF + LAG, step=NBUF)
    def _main(t0):
        for i in range(NBUF):
            t = t0 + i
            b = (LAG + i) % NBUF
            bl = i % NBUF
            wait_gather(t, b)
            start_write(t, b)
            wait_write(t - LAG, bl)
            start_gather(t - LAG + NBUF, bl)

    for t in range(K - NBUF + LAG, K):
        wait_gather(t, t % NBUF)
        start_write(t, t % NBUF)
    for t in range(K - NBUF, K):
        wait_write(t, t % NBUF)


@jax.jit
def kernel(data, ivectors):
    idx = jnp.transpose(data.astype(jnp.int32)).reshape(NW, K, CHUNK)
    mesh = plsc.VectorSubcoreMesh(core_axis_name="c", subcore_axis_name="s")
    run = pl.kernel(
        _emb_body,
        out_type=jax.ShapeDtypeStruct((NW * K, CHUNK, FACTORS), jnp.float32),
        mesh=mesh,
        scratch_types=(
            [pltpu.VMEM((K, CHUNK), jnp.int32),
             pltpu.VMEM((NBUF, CHUNK, FACTORS), jnp.float32)]
            + [pltpu.SemaphoreType.DMA] * (2 * NBUF)
        ),
    )
    out = run(ivectors, idx)
    return jnp.transpose(out.reshape(HIST, BATCH, FACTORS), (1, 0, 2))

# --- scband reference (transcript-rebuilt; emitter-appended) ---
"""Pipeline reference for scband-item-emb-75033078661556 (READ-ONLY COPY).

The authoritative reference and input builder live on the scoring server;
editing this copy changes nothing except your own understanding.
"""

import jax, jax.numpy as jnp
import numpy as np

ITEM_NUM = 100000
FACTORS = 128
BATCH = 16384
HIST = 50


def setup_inputs(seed: int = 0) -> dict:
    key = jax.random.key(seed)
    k1, k2 = jax.random.split(key)
    # ivectors weight: row 0 zeros (padding_idx), remaining rows uniform(-0.5/factors, 0.5/factors)
    ivectors = jnp.concatenate([
        jnp.zeros((1, FACTORS), dtype=jnp.float32),
        jax.random.uniform(k1, (ITEM_NUM - 1, FACTORS), dtype=jnp.float32,
                           minval=-0.5 / FACTORS, maxval=0.5 / FACTORS),
    ], axis=0)
    data = jax.random.randint(k2, (BATCH, HIST), 0, ITEM_NUM, dtype=jnp.int64)
    return {"data": data, "ivectors": ivectors}


def reference(data, ivectors):
    # ItemEmb.forward -> forward_i -> nn.Embedding lookup on ivectors
    return jnp.take(ivectors, data, axis=0)

if __name__ == "__main__":
    import jax
    _d = setup_inputs()
    print(jax.jit(kernel)(*tuple(_d.values())))

</pallas_src>

<mosaic_0001>
#map = affine_map<(d0, d1) -> (0, 0)>
#map1 = affine_map<(d0, d1) -> (0, 0, 0)>
module attributes {stable_mosaic.version = 14 : i64} {
  func.func @_emb_body(%arg0: i32, %arg1: i32, %arg2: memref<100000x128xf32, #tpu.memory_space<hbm>>, %arg3: memref<32x200x128xi32, #tpu.memory_space<hbm>>, %arg4: memref<6400x128x128xf32, #tpu.memory_space<hbm>>, %arg5: memref<200x128xi32, #tpu.memory_space<vmem>>, %arg6: memref<5x128x128xf32, #tpu.memory_space<vmem>>, %arg7: memref<!tpu.dma_semaphore, #tpu.memory_space<semaphore_mem>>, %arg8: memref<!tpu.dma_semaphore, #tpu.memory_space<semaphore_mem>>, %arg9: memref<!tpu.dma_semaphore, #tpu.memory_space<semaphore_mem>>, %arg10: memref<!tpu.dma_semaphore, #tpu.memory_space<semaphore_mem>>, %arg11: memref<!tpu.dma_semaphore, #tpu.memory_space<semaphore_mem>>, %arg12: memref<!tpu.dma_semaphore, #tpu.memory_space<semaphore_mem>>, %arg13: memref<!tpu.dma_semaphore, #tpu.memory_space<semaphore_mem>>, %arg14: memref<!tpu.dma_semaphore, #tpu.memory_space<semaphore_mem>>, %arg15: memref<!tpu.dma_semaphore, #tpu.memory_space<semaphore_mem>>, %arg16: memref<!tpu.dma_semaphore, #tpu.memory_space<semaphore_mem>>) attributes {dimension_semantics = [#tpu.dimension_semantics<core_parallel>, #tpu.dimension_semantics<subcore_parallel>], iteration_bounds = array<i64: 2, 16>, scalar_prefetch = 0 : i64, scratch_operands = 12 : i64, tpu.core_type = #tpu.core_type<sc_vector_subcore>, window_params = [{transform_indices = #map}, {transform_indices = #map1}, {transform_indices = #map1}]} {
    %mul3A = arith.constant 2 : i32
    %mul3A_0 = arith.muli %arg1, %mul3A : i32
    %add3A = arith.addi %mul3A_0, %arg0 : i32
    "tpu.region"() ({
      %run_scoped3A = tpu.sem_alloc : memref<!tpu.dma_semaphore, #tpu.memory_space<semaphore_mem>>
      %dma_start3A_333 = arith.constant 0 : i32
      %dma_start3A_334 = arith.constant 0 : i32
      %dma_start3A_335 = tpu.memref_slice %arg3[%add3A, %dma_start3A_333, %dma_start3A_334] : memref<32x200x128xi32, #tpu.memory_space<hbm>> -> memref<1x200x128xi32, #tpu.memory_space<hbm>>
      %dma_start3A_336 = tpu.memref_squeeze %dma_start3A_335 : memref<1x200x128xi32, #tpu.memory_space<hbm>> -> memref<200x128xi32, #tpu.memory_space<hbm>>
      %dma_start3A_337 = arith.constant 0 : i32
      %dma_start3A_338 = arith.constant 0 : i32
      %dma_start3A_339 = tpu.memref_slice %arg3[%add3A, %dma_start3A_337, %dma_start3A_338] : memref<32x200x128xi32, #tpu.memory_space<hbm>> -> memref<1x200x128xi32, #tpu.memory_space<hbm>>
      %dma_start3A_340 = tpu.memref_squeeze %dma_start3A_339 : memref<1x200x128xi32, #tpu.memory_space<hbm>> -> memref<200x128xi32, #tpu.memory_space<hbm>>
      tpu.enqueue_dma source(%dma_start3A_340 : memref<200x128xi32, #tpu.memory_space<hbm>>) target(%arg5 : memref<200x128xi32, #tpu.memory_space<vmem>>) target_semaphore(%run_scoped3A : memref<!tpu.dma_semaphore, #tpu.memory_space<semaphore_mem>>)
      %dma_wait3A_341 = arith.constant 0 : i32
      %dma_wait3A_342 = arith.constant 0 : i32
      %dma_wait3A_343 = tpu.memref_slice %arg3[%add3A, %dma_wait3A_341, %dma_wait3A_342] : memref<32x200x128xi32, #tpu.memory_space<hbm>> -> memref<1x200x128xi32, #tpu.memory_space<hbm>>
      %dma_wait3A_344 = tpu.memref_squeeze %dma_wait3A_343 : memref<1x200x128xi32, #tpu.memory_space<hbm>> -> memref<200x128xi32, #tpu.memory_space<hbm>>
      %dma_wait3A_345 = arith.constant 0 : i32
      %dma_wait3A_346 = arith.constant 0 : i32
      %dma_wait3A_347 = tpu.memref_slice %arg3[%add3A, %dma_wait3A_345, %dma_wait3A_346] : memref<32x200x128xi32, #tpu.memory_space<hbm>> -> memref<1x200x128xi32, #tpu.memory_space<hbm>>
      %dma_wait3A_348 = tpu.memref_squeeze %dma_wait3A_347 : memref<1x200x128xi32, #tpu.memory_space<hbm>> -> memref<200x128xi32, #tpu.memory_space<hbm>>
      tpu.wait_dma2 semaphore(%run_scoped3A : memref<!tpu.dma_semaphore, #tpu.memory_space<semaphore_mem>>) src(%dma_wait3A_348 : memref<200x128xi32, #tpu.memory_space<hbm>>) dst(%arg5 : memref<200x128xi32, #tpu.memory_space<vmem>>)
      tpu.yield
    }) : () -> ()
    %dma_start3A = arith.constant 0 : i32
    %dma_start3A_1 = arith.constant 0 : i32
    %dma_start3A_2 = arith.constant 0 : i32
    %dma_start3A_3 = arith.constant 0 : i32
    %dma_start3A_4 = tpu.memref_slice %arg6[%dma_start3A_1, %dma_start3A_2, %dma_start3A_3] : memref<5x128x128xf32, #tpu.memory_space<vmem>> -> memref<1x128x128xf32, #tpu.memory_space<vmem>>
    %dma_start3A_5 = tpu.memref_squeeze %dma_start3A_4 : memref<1x128x128xf32, #tpu.memory_space<vmem>> -> memref<128x128xf32, #tpu.memory_space<vmem>>
    %dma_start3A_6 = arith.constant 0 : i32
    %dma_start3A_7 = tpu.memref_slice %arg5[%dma_start3A, %dma_start3A_6] : memref<200x128xi32, #tpu.memory_space<vmem>> -> memref<1x128xi32, #tpu.memory_space<vmem>>
    %dma_start3A_8 = tpu.memref_squeeze %dma_start3A_7 : memref<1x128xi32, #tpu.memory_space<vmem>> -> memref<128xi32, #tpu.memory_space<vmem>>
    %dma_start3A_9 = arith.constant 0 : i32
    %dma_start3A_10 = arith.constant 0 : i32
    %dma_start3A_11 = tpu.memref_slice %arg2[%dma_start3A_9, %dma_start3A_10] : memref<100000x128xf32, #tpu.memory_space<hbm>> -> memref<100000x128xf32, #tpu.memory_space<hbm>>
    tpu.enqueue_indirect_dma source(%dma_start3A_11 : memref<100000x128xf32, #tpu.memory_space<hbm>>) target(%dma_start3A_5 : memref<128x128xf32, #tpu.memory_space<vmem>>) offsets(%dma_start3A_8 : memref<128xi32, #tpu.memory_space<vmem>>) semaphore(%arg7 : memref<!tpu.dma_semaphore, #tpu.memory_space<semaphore_mem>>)
    %dma_start3A_12 = arith.constant 1 : i32
    %dma_start3A_13 = arith.constant 1 : i32
    %dma_start3A_14 = arith.constant 0 : i32
    %dma_start3A_15 = arith.constant 0 : i32
    %dma_start3A_16 = tpu.memref_slice %arg6[%dma_start3A_13, %dma_start3A_14, %dma_start3A_15] : memref<5x128x128xf32, #tpu.memory_space<vmem>> -> memref<1x128x128xf32, #tpu.memory_space<vmem>>
    %dma_start3A_17 = tpu.memref_squeeze %dma_start3A_16 : memref<1x128x128xf32, #tpu.memory_space<vmem>> -> memref<128x128xf32, #tpu.memory_space<vmem>>
    %dma_start3A_18 = arith.constant 0 : i32
    %dma_start3A_19 = tpu.memref_slice %arg5[%dma_start3A_12, %dma_start3A_18] : memref<200x128xi32, #tpu.memory_space<vmem>> -> memref<1x128xi32, #tpu.memory_space<vmem>>
    %dma_start3A_20 = tpu.memref_squeeze %dma_start3A_19 : memref<1x128xi32, #tpu.memory_space<vmem>> -> memref<128xi32, #tpu.memory_space<vmem>>
    %dma_start3A_21 = arith.constant 0 : i32
    %dma_start3A_22 = arith.constant 0 : i32
    %dma_start3A_23 = tpu.memref_slice %arg2[%dma_start3A_21, %dma_start3A_22] : memref<100000x128xf32, #tpu.memory_space<hbm>> -> memref<100000x128xf32, #tpu.memory_space<hbm>>
    tpu.enqueue_indirect_dma source(%dma_start3A_23 : memref<100000x128xf32, #tpu.memory_space<hbm>>) target(%dma_start3A_17 : memref<128x128xf32, #tpu.memory_space<vmem>>) offsets(%dma_start3A_20 : memref<128xi32, #tpu.memory_space<vmem>>) semaphore(%arg8 : memref<!tpu.dma_semaphore, #tpu.memory_space<semaphore_mem>>)
    %dma_start3A_24 = arith.constant 2 : i32
    %dma_start3A_25 = arith.constant 2 : i32
    %dma_start3A_26 = arith.constant 0 : i32
    %dma_start3A_27 = arith.constant 0 : i32
    %dma_start3A_28 = tpu.memref_slice %arg6[%dma_start3A_25, %dma_start3A_26, %dma_start3A_27] : memref<5x128x128xf32, #tpu.memory_space<vmem>> -> memref<1x128x128xf32, #tpu.memory_space<vmem>>
    %dma_start3A_29 = tpu.memref_squeeze %dma_start3A_28 : memref<1x128x128xf32, #tpu.memory_space<vmem>> -> memref<128x128xf32, #tpu.memory_space<vmem>>
    %dma_start3A_30 = arith.constant 0 : i32
    %dma_start3A_31 = tpu.memref_slice %arg5[%dma_start3A_24, %dma_start3A_30] : memref<200x128xi32, #tpu.memory_space<vmem>> -> memref<1x128xi32, #tpu.memory_space<vmem>>
    %dma_start3A_32 = tpu.memref_squeeze %dma_start3A_31 : memref<1x128xi32, #tpu.memory_space<vmem>> -> memref<128xi32, #tpu.memory_space<vmem>>
    %dma_start3A_33 = arith.constant 0 : i32
    %dma_start3A_34 = arith.constant 0 : i32
    %dma_start3A_35 = tpu.memref_slice %arg2[%dma_start3A_33, %dma_start3A_34] : memref<100000x128xf32, #tpu.memory_space<hbm>> -> memref<100000x128xf32, #tpu.memory_space<hbm>>
    tpu.enqueue_indirect_dma source(%dma_start3A_35 : memref<100000x128xf32, #tpu.memory_space<hbm>>) target(%dma_start3A_29 : memref<128x128xf32, #tpu.memory_space<vmem>>) offsets(%dma_start3A_32 : memref<128xi32, #tpu.memory_space<vmem>>) semaphore(%arg9 : memref<!tpu.dma_semaphore, #tpu.memory_space<semaphore_mem>>)
    %dma_start3A_36 = arith.constant 3 : i32
    %dma_start3A_37 = arith.constant 3 : i32
    %dma_start3A_38 = arith.constant 0 : i32
    %dma_start3A_39 = arith.constant 0 : i32
    %dma_start3A_40 = tpu.memref_slice %arg6[%dma_start3A_37, %dma_start3A_38, %dma_start3A_39] : memref<5x128x128xf32, #tpu.memory_space<vmem>> -> memref<1x128x128xf32, #tpu.memory_space<vmem>>
    %dma_start3A_41 = tpu.memref_squeeze %dma_start3A_40 : memref<1x128x128xf32, #tpu.memory_space<vmem>> -> memref<128x128xf32, #tpu.memory_space<vmem>>
    %dma_start3A_42 = arith.constant 0 : i32
    %dma_start3A_43 = tpu.memref_slice %arg5[%dma_start3A_36, %dma_start3A_42] : memref<200x128xi32, #tpu.memory_space<vmem>> -> memref<1x128xi32, #tpu.memory_space<vmem>>
    %dma_start3A_44 = tpu.memref_squeeze %dma_start3A_43 : memref<1x128xi32, #tpu.memory_space<vmem>> -> memref<128xi32, #tpu.memory_space<vmem>>
    %dma_start3A_45 = arith.constant 0 : i32
    %dma_start3A_46 = arith.constant 0 : i32
    %dma_start3A_47 = tpu.memref_slice %arg2[%dma_start3A_45, %dma_start3A_46] : memref<100000x128xf32, #tpu.memory_space<hbm>> -> memref<100000x128xf32, #tpu.memory_space<hbm>>
    tpu.enqueue_indirect_dma source(%dma_start3A_47 : memref<100000x128xf32, #tpu.memory_space<hbm>>) target(%dma_start3A_41 : memref<128x128xf32, #tpu.memory_space<vmem>>) offsets(%dma_start3A_44 : memref<128xi32, #tpu.memory_space<vmem>>) semaphore(%arg10 : memref<!tpu.dma_semaphore, #tpu.memory_space<semaphore_mem>>)
    %dma_start3A_48 = arith.constant 4 : i32
    %dma_start3A_49 = arith.constant 4 : i32
    %dma_start3A_50 = arith.constant 0 : i32
    %dma_start3A_51 = arith.constant 0 : i32
    %dma_start3A_52 = tpu.memref_slice %arg6[%dma_start3A_49, %dma_start3A_50, %dma_start3A_51] : memref<5x128x128xf32, #tpu.memory_space<vmem>> -> memref<1x128x128xf32, #tpu.memory_space<vmem>>
    %dma_start3A_53 = tpu.memref_squeeze %dma_start3A_52 : memref<1x128x128xf32, #tpu.memory_space<vmem>> -> memref<128x128xf32, #tpu.memory_space<vmem>>
    %dma_start3A_54 = arith.constant 0 : i32
    %dma_start3A_55 = tpu.memref_slice %arg5[%dma_start3A_48, %dma_start3A_54] : memref<200x128xi32, #tpu.memory_space<vmem>> -> memref<1x128xi32, #tpu.memory_space<vmem>>
    %dma_start3A_56 = tpu.memref_squeeze %dma_start3A_55 : memref<1x128xi32, #tpu.memory_space<vmem>> -> memref<128xi32, #tpu.memory_space<vmem>>
    %dma_start3A_57 = arith.constant 0 : i32
    %dma_start3A_58 = arith.constant 0 : i32
    %dma_start3A_59 = tpu.memref_slice %arg2[%dma_start3A_57, %dma_start3A_58] : memref<100000x128xf32, #tpu.memory_space<hbm>> -> memref<100000x128xf32, #tpu.memory_space<hbm>>
    tpu.enqueue_indirect_dma source(%dma_start3A_59 : memref<100000x128xf32, #tpu.memory_space<hbm>>) target(%dma_start3A_53 : memref<128x128xf32, #tpu.memory_space<vmem>>) offsets(%dma_start3A_56 : memref<128xi32, #tpu.memory_space<vmem>>) semaphore(%arg11 : memref<!tpu.dma_semaphore, #tpu.memory_space<semaphore_mem>>)
    %scan3A = arith.constant 0 : i32
    %scan3A_60 = arith.constant 39 : i32
    %scan3A_61 = arith.addi %scan3A, %scan3A_60 : i32
    %scan3A_62 = arith.constant 1 : i32
    scf.for %scan3A_333 = %scan3A to %scan3A_61 step %scan3A_62  : i32 {
      %mul3A_334 = arith.constant 5 : i32
      %mul3A_335 = arith.muli %scan3A_333, %mul3A_334 : i32
      %add3A_336 = arith.constant 0 : i32
      %add3A_337 = arith.addi %add3A_336, %mul3A_335 : i32
      %add3A_338 = arith.constant 0 : i32
      %add3A_339 = arith.addi %add3A_337, %add3A_338 : i32
      %dma_wait3A_340 = arith.constant 0 : i32
      %dma_wait3A_341 = arith.constant 0 : i32
      %dma_wait3A_342 = arith.constant 0 : i32
      %dma_wait3A_343 = tpu.memref_slice %arg6[%dma_wait3A_340, %dma_wait3A_341, %dma_wait3A_342] : memref<5x128x128xf32, #tpu.memory_space<vmem>> -> memref<1x128x128xf32, #tpu.memory_space<vmem>>
      %dma_wait3A_344 = tpu.memref_squeeze %dma_wait3A_343 : memref<1x128x128xf32, #tpu.memory_space<vmem>> -> memref<128x128xf32, #tpu.memory_space<vmem>>
      %dma_wait3A_345 = arith.constant 0 : i32
      %dma_wait3A_346 = tpu.memref_slice %arg5[%add3A_339, %dma_wait3A_345] : memref<200x128xi32, #tpu.memory_space<vmem>> -> memref<1x128xi32, #tpu.memory_space<vmem>>
      %dma_wait3A_347 = tpu.memref_squeeze %dma_wait3A_346 : memref<1x128xi32, #tpu.memory_space<vmem>> -> memref<128xi32, #tpu.memory_space<vmem>>
      %dma_wait3A_348 = arith.constant 0 : i32
      %dma_wait3A_349 = arith.constant 0 : i32
      %dma_wait3A_350 = tpu.memref_slice %arg2[%dma_wait3A_348, %dma_wait3A_349] : memref<100000x128xf32, #tpu.memory_space<hbm>> -> memref<100000x128xf32, #tpu.memory_space<hbm>>
      tpu.wait_indirect_dma semaphore(%arg7 : memref<!tpu.dma_semaphore, #tpu.memory_space<semaphore_mem>>) src(%dma_wait3A_350 : memref<100000x128xf32, #tpu.memory_space<hbm>>) dst(%dma_wait3A_344 : memref<128x128xf32, #tpu.memory_space<vmem>>)
      %mul3A_351 = arith.constant 200 : i32
      %mul3A_352 = arith.muli %add3A, %mul3A_351 : i32
      %add3A_353 = arith.addi %mul3A_352, %add3A_339 : i32
      %dma_start3A_354 = arith.constant 0 : i32
      %dma_start3A_355 = arith.constant 0 : i32
      %dma_start3A_356 = arith.constant 0 : i32
      %dma_start3A_357 = tpu.memref_slice %arg6[%dma_start3A_354, %dma_start3A_355, %dma_start3A_356] : memref<5x128x128xf32, #tpu.memory_space<vmem>> -> memref<1x128x128xf32, #tpu.memory_space<vmem>>
      %dma_start3A_358 = tpu.memref_squeeze %dma_start3A_357 : memref<1x128x128xf32, #tpu.memory_space<vmem>> -> memref<128x128xf32, #tpu.memory_space<vmem>>
      %dma_start3A_359 = arith.constant 0 : i32
      %dma_start3A_360 = arith.constant 0 : i32
      %dma_start3A_361 = tpu.memref_slice %arg4[%add3A_353, %dma_start3A_359, %dma_start3A_360] : memref<6400x128x128xf32, #tpu.memory_space<hbm>> -> memref<1x128x128xf32, #tpu.memory_space<hbm>>
      %dma_start3A_362 = tpu.memref_squeeze %dma_start3A_361 : memref<1x128x128xf32, #tpu.memory_space<hbm>> -> memref<128x128xf32, #tpu.memory_space<hbm>>
      %dma_start3A_363 = arith.constant 0 : i32
      %dma_start3A_364 = arith.constant 0 : i32
      %dma_start3A_365 = tpu.memref_slice %arg4[%add3A_353, %dma_start3A_363, %dma_start3A_364] : memref<6400x128x128xf32, #tpu.memory_space<hbm>> -> memref<1x128x128xf32, #tpu.memory_space<hbm>>
      %dma_start3A_366 = tpu.memref_squeeze %dma_start3A_365 : memref<1x128x128xf32, #tpu.memory_space<hbm>> -> memref<128x128xf32, #tpu.memory_space<hbm>>
      %dma_start3A_367 = arith.constant 0 : i32
      %dma_start3A_368 = arith.constant 0 : i32
      %dma_start3A_369 = tpu.memref_slice %arg6[%dma_start3A_354, %dma_start3A_367, %dma_start3A_368] : memref<5x128x128xf32, #tpu.memory_space<vmem>> -> memref<1x128x128xf32, #tpu.memory_space<vmem>>
      %dma_start3A_370 = tpu.memref_squeeze %dma_start3A_369 : memref<1x128x128xf32, #tpu.memory_space<vmem>> -> memref<128x128xf32, #tpu.memory_space<vmem>>
      tpu.enqueue_dma source(%dma_start3A_370 : memref<128x128xf32, #tpu.memory_space<vmem>>) target(%dma_start3A_366 : memref<128x128xf32, #tpu.memory_space<hbm>>) target_semaphore(%arg12 : memref<!tpu.dma_semaphore, #tpu.memory_space<semaphore_mem>>)
      %sub3A = arith.constant 0 : i32
      %sub3A_371 = arith.subi %add3A_339, %sub3A : i32
      %mul3A_372 = arith.constant 200 : i32
      %mul3A_373 = arith.muli %add3A, %mul3A_372 : i32
      %add3A_374 = arith.addi %mul3A_373, %sub3A_371 : i32
      %dma_wait3A_375 = arith.constant 0 : i32
      %dma_wait3A_376 = arith.constant 0 : i32
      %dma_wait3A_377 = arith.constant 0 : i32
      %dma_wait3A_378 = tpu.memref_slice %arg6[%dma_wait3A_375, %dma_wait3A_376, %dma_wait3A_377] : memref<5x128x128xf32, #tpu.memory_space<vmem>> -> memref<1x128x128xf32, #tpu.memory_space<vmem>>
      %dma_wait3A_379 = tpu.memref_squeeze %dma_wait3A_378 : memref<1x128x128xf32, #tpu.memory_space<vmem>> -> memref<128x128xf32, #tpu.memory_space<vmem>>
      %dma_wait3A_380 = arith.constant 0 : i32
      %dma_wait3A_381 = arith.constant 0 : i32
      %dma_wait3A_382 = tpu.memref_slice %arg4[%add3A_374, %dma_wait3A_380, %dma_wait3A_381] : memref<6400x128x128xf32, #tpu.memory_space<hbm>> -> memref<1x128x128xf32, #tpu.memory_space<hbm>>
      %dma_wait3A_383 = tpu.memref_squeeze %dma_wait3A_382 : memref<1x128x128xf32, #tpu.memory_space<hbm>> -> memref<128x128xf32, #tpu.memory_space<hbm>>
      %dma_wait3A_384 = arith.constant 0 : i32
      %dma_wait3A_385 = arith.constant 0 : i32
      %dma_wait3A_386 = tpu.memref_slice %arg4[%add3A_374, %dma_wait3A_384, %dma_wait3A_385] : memref<6400x128x128xf32, #tpu.memory_space<hbm>> -> memref<1x128x128xf32, #tpu.memory_space<hbm>>
      %dma_wait3A_387 = tpu.memref_squeeze %dma_wait3A_386 : memref<1x128x128xf32, #tpu.memory_space<hbm>> -> memref<128x128xf32, #tpu.memory_space<hbm>>
      %dma_wait3A_388 = arith.constant 0 : i32
      %dma_wait3A_389 = arith.constant 0 : i32
      %dma_wait3A_390 = tpu.memref_slice %arg6[%dma_wait3A_375, %dma_wait3A_388, %dma_wait3A_389] : memref<5x128x128xf32, #tpu.memory_space<vmem>> -> memref<1x128x128xf32, #tpu.memory_space<vmem>>
      %dma_wait3A_391 = tpu.memref_squeeze %dma_wait3A_390 : memref<1x128x128xf32, #tpu.memory_space<vmem>> -> memref<128x128xf32, #tpu.memory_space<vmem>>
      tpu.wait_dma2 semaphore(%arg12 : memref<!tpu.dma_semaphore, #tpu.memory_space<semaphore_mem>>) src(%dma_wait3A_391 : memref<128x128xf32, #tpu.memory_space<vmem>>) dst(%dma_wait3A_387 : memref<128x128xf32, #tpu.memory_space<hbm>>)
      %sub3A_392 = arith.constant 0 : i32
      %sub3A_393 = arith.subi %add3A_339, %sub3A_392 : i32
      %add3A_394 = arith.constant 5 : i32
      %add3A_395 = arith.addi %sub3A_393, %add3A_394 : i32
      %dma_start3A_396 = arith.constant 0 : i32
      %dma_start3A_397 = arith.constant 0 : i32
      %dma_start3A_398 = arith.constant 0 : i32
      %dma_start3A_399 = tpu.memref_slice %arg6[%dma_start3A_396, %dma_start3A_397, %dma_start3A_398] : memref<5x128x128xf32, #tpu.memory_space<vmem>> -> memref<1x128x128xf32, #tpu.memory_space<vmem>>
      %dma_start3A_400 = tpu.memref_squeeze %dma_start3A_399 : memref<1x128x128xf32, #tpu.memory_space<vmem>> -> memref<128x128xf32, #tpu.memory_space<vmem>>
      %dma_start3A_401 = arith.constant 0 : i32
      %dma_start3A_402 = tpu.memref_slice %arg5[%add3A_395, %dma_start3A_401] : memref<200x128xi32, #tpu.memory_space<vmem>> -> memref<1x128xi32, #tpu.memory_space<vmem>>
      %dma_start3A_403 = tpu.memref_squeeze %dma_start3A_402 : memref<1x128xi32, #tpu.memory_space<vmem>> -> memref<128xi32, #tpu.memory_space<vmem>>
      %dma_start3A_404 = arith.constant 0 : i32
      %dma_start3A_405 = arith.constant 0 : i32
      %dma_start3A_406 = tpu.memref_slice %arg2[%dma_start3A_404, %dma_start3A_405] : memref<100000x128xf32, #tpu.memory_space<hbm>> -> memref<100000x128xf32, #tpu.memory_space<hbm>>
      tpu.enqueue_indirect_dma source(%dma_start3A_406 : memref<100000x128xf32, #tpu.memory_space<hbm>>) target(%dma_start3A_400 : memref<128x128xf32, #tpu.memory_space<vmem>>) offsets(%dma_start3A_403 : memref<128xi32, #tpu.memory_space<vmem>>) semaphore(%arg7 : memref<!tpu.dma_semaphore, #tpu.memory_space<semaphore_mem>>)
      %add3A_407 = arith.constant 1 : i32
      %add3A_408 = arith.addi %add3A_337, %add3A_407 : i32
      %dma_wait3A_409 = arith.constant 1 : i32
      %dma_wait3A_410 = arith.constant 0 : i32
      %dma_wait3A_411 = arith.constant 0 : i32
      %dma_wait3A_412 = tpu.memref_slice %arg6[%dma_wait3A_409, %dma_wait3A_410, %dma_wait3A_411] : memref<5x128x128xf32, #tpu.memory_space<vmem>> -> memref<1x128x128xf32, #tpu.memory_space<vmem>>
      %dma_wait3A_413 = tpu.memref_squeeze %dma_wait3A_412 : memref<1x128x128xf32, #tpu.memory_space<vmem>> -> memref<128x128xf32, #tpu.memory_space<vmem>>
      %dma_wait3A_414 = arith.constant 0 : i32
      %dma_wait3A_415 = tpu.memref_slice %arg5[%add3A_408, %dma_wait3A_414] : memref<200x128xi32, #tpu.memory_space<vmem>> -> memref<1x128xi32, #tpu.memory_space<vmem>>
      %dma_wait3A_416 = tpu.memref_squeeze %dma_wait3A_415 : memref<1x128xi32, #tpu.memory_space<vmem>> -> memref<128xi32, #tpu.memory_space<vmem>>
      %dma_wait3A_417 = arith.constant 0 : i32
      %dma_wait3A_418 = arith.constant 0 : i32
      %dma_wait3A_419 = tpu.memref_slice %arg2[%dma_wait3A_417, %dma_wait3A_418] : memref<100000x128xf32, #tpu.memory_space<hbm>> -> memref<100000x128xf32, #tpu.memory_space<hbm>>
      tpu.wait_indirect_dma semaphore(%arg8 : memref<!tpu.dma_semaphore, #tpu.memory_space<semaphore_mem>>) src(%dma_wait3A_419 : memref<100000x128xf32, #tpu.memory_space<hbm>>) dst(%dma_wait3A_413 : memref<128x128xf32, #tpu.memory_space<vmem>>)
      %mul3A_420 = arith.constant 200 : i32
      %mul3A_421 = arith.muli %add3A, %mul3A_420 : i32
      %add3A_422 = arith.addi %mul3A_421, %add3A_408 : i32
      %dma_start3A_423 = arith.constant 1 : i32
      %dma_start3A_424 = arith.constant 0 : i32
      %dma_start3A_425 = arith.constant 0 : i32
      %dma_start3A_426 = tpu.memref_slice %arg6[%dma_start3A_423, %dma_start3A_424, %dma_start3A_425] : memref<5x128x128xf32, #tpu.memory_space<vmem>> -> memref<1x128x128xf32, #tpu.memory_space<vmem>>
      %dma_start3A_427 = tpu.memref_squeeze %dma_start3A_426 : memref<1x128x128xf32, #tpu.memory_space<vmem>> -> memref<128x128xf32, #tpu.memory_space<vmem>>
      %dma_start3A_428 = arith.constant 0 : i32
      %dma_start3A_429 = arith.constant 0 : i32
      %dma_start3A_430 = tpu.memref_slice %arg4[%add3A_422, %dma_start3A_428, %dma_start3A_429] : memref<6400x128x128xf32, #tpu.memory_space<hbm>> -> memref<1x128x128xf32, #tpu.memory_space<hbm>>
      %dma_start3A_431 = tpu.memref_squeeze %dma_start3A_430 : memref<1x128x128xf32, #tpu.memory_space<hbm>> -> memref<128x128xf32, #tpu.memory_space<hbm>>
      %dma_start3A_432 = arith.constant 0 : i32
      %dma_start3A_433 = arith.constant 0 : i32
      %dma_start3A_434 = tpu.memref_slice %arg4[%add3A_422, %dma_start3A_432, %dma_start3A_433] : memref<6400x128x128xf32, #tpu.memory_space<hbm>> -> memref<1x128x128xf32, #tpu.memory_space<hbm>>
      %dma_start3A_435 = tpu.memref_squeeze %dma_start3A_434 : memref<1x128x128xf32, #tpu.memory_space<hbm>> -> memref<128x128xf32, #tpu.memory_space<hbm>>
      %dma_start3A_436 = arith.constant 0 : i32
      %dma_start3A_437 = arith.constant 0 : i32
      %dma_start3A_438 = tpu.memref_slice %arg6[%dma_start3A_423, %dma_start3A_436, %dma_start3A_437] : memref<5x128x128xf32, #tpu.memory_space<vmem>> -> memref<1x128x128xf32, #tpu.memory_space<vmem>>
      %dma_start3A_439 = tpu.memref_squeeze %dma_start3A_438 : memref<1x128x128xf32, #tpu.memory_space<vmem>> -> memref<128x128xf32, #tpu.memory_space<vmem>>
      tpu.enqueue_dma source(%dma_start3A_439 : memref<128x128xf32, #tpu.memory_space<vmem>>) target(%dma_start3A_435 : memref<128x128xf32, #tpu.memory_space<hbm>>) target_semaphore(%arg13 : memref<!tpu.dma_semaphore, #tpu.memory_space<semaphore_mem>>)
      %sub3A_440 = arith.constant 0 : i32
      %sub3A_441 = arith.subi %add3A_408, %sub3A_440 : i32
      %mul3A_442 = arith.constant 200 : i32
      %mul3A_443 = arith.muli %add3A, %mul3A_442 : i32
      %add3A_444 = arith.addi %mul3A_443, %sub3A_441 : i32
      %dma_wait3A_445 = arith.constant 1 : i32
      %dma_wait3A_446 = arith.constant 0 : i32
      %dma_wait3A_447 = arith.constant 0 : i32
      %dma_wait3A_448 = tpu.memref_slice %arg6[%dma_wait3A_445, %dma_wait3A_446, %dma_wait3A_447] : memref<5x128x128xf32, #tpu.memory_space<vmem>> -> memref<1x128x128xf32, #tpu.memory_space<vmem>>
      %dma_wait3A_449 = tpu.memref_squeeze %dma_wait3A_448 : memref<1x128x128xf32, #tpu.memory_space<vmem>> -> memref<128x128xf32, #tpu.memory_space<vmem>>
      %dma_wait3A_450 = arith.constant 0 : i32
      %dma_wait3A_451 = arith.constant 0 : i32
      %dma_wait3A_452 = tpu.memref_slice %arg4[%add3A_444, %dma_wait3A_450, %dma_wait3A_451] : memref<6400x128x128xf32, #tpu.memory_space<hbm>> -> memref<1x128x128xf32, #tpu.memory_space<hbm>>
      %dma_wait3A_453 = tpu.memref_squeeze %dma_wait3A_452 : memref<1x128x128xf32, #tpu.memory_space<hbm>> -> memref<128x128xf32, #tpu.memory_space<hbm>>
      %dma_wait3A_454 = arith.constant 0 : i32
      %dma_wait3A_455 = arith.constant 0 : i32
      %dma_wait3A_456 = tpu.memref_slice %arg4[%add3A_444, %dma_wait3A_454, %dma_wait3A_455] : memref<6400x128x128xf32, #tpu.memory_space<hbm>> -> memref<1x128x128xf32, #tpu.memory_space<hbm>>
      %dma_wait3A_457 = tpu.memref_squeeze %dma_wait3A_456 : memref<1x128x128xf32, #tpu.memory_space<hbm>> -> memref<128x128xf32, #tpu.memory_space<hbm>>
      %dma_wait3A_458 = arith.constant 0 : i32
      %dma_wait3A_459 = arith.constant 0 : i32
      %dma_wait3A_460 = tpu.memref_slice %arg6[%dma_wait3A_445, %dma_wait3A_458, %dma_wait3A_459] : memref<5x128x128xf32, #tpu.memory_space<vmem>> -> memref<1x128x128xf32, #tpu.memory_space<vmem>>
      %dma_wait3A_461 = tpu.memref_squeeze %dma_wait3A_460 : memref<1x128x128xf32, #tpu.memory_space<vmem>> -> memref<128x128xf32, #tpu.memory_space<vmem>>
      tpu.wait_dma2 semaphore(%arg13 : memref<!tpu.dma_semaphore, #tpu.memory_space<semaphore_mem>>) src(%dma_wait3A_461 : memref<128x128xf32, #tpu.memory_space<vmem>>) dst(%dma_wait3A_457 : memref<128x128xf32, #tpu.memory_space<hbm>>)
      %sub3A_462 = arith.constant 0 : i32
      %sub3A_463 = arith.subi %add3A_408, %sub3A_462 : i32
      %add3A_464 = arith.constant 5 : i32
      %add3A_465 = arith.addi %sub3A_463, %add3A_464 : i32
      %dma_start3A_466 = arith.constant 1 : i32
      %dma_start3A_467 = arith.constant 0 : i32
      %dma_start3A_468 = arith.constant 0 : i32
      %dma_start3A_469 = tpu.memref_slice %arg6[%dma_start3A_466, %dma_start3A_467, %dma_start3A_468] : memref<5x128x128xf32, #tpu.memory_space<vmem>> -> memref<1x128x128xf32, #tpu.memory_space<vmem>>
      %dma_start3A_470 = tpu.memref_squeeze %dma_start3A_469 : memref<1x128x128xf32, #tpu.memory_space<vmem>> -> memref<128x128xf32, #tpu.memory_space<vmem>>
      %dma_start3A_471 = arith.constant 0 : i32
      %dma_start3A_472 = tpu.memref_slice %arg5[%add3A_465, %dma_start3A_471] : memref<200x128xi32, #tpu.memory_space<vmem>> -> memref<1x128xi32, #tpu.memory_space<vmem>>
      %dma_start3A_473 = tpu.memref_squeeze %dma_start3A_472 : memref<1x128xi32, #tpu.memory_space<vmem>> -> memref<128xi32, #tpu.memory_space<vmem>>
      %dma_start3A_474 = arith.constant 0 : i32
      %dma_start3A_475 = arith.constant 0 : i32
      %dma_start3A_476 = tpu.memref_slice %arg2[%dma_start3A_474, %dma_start3A_475] : memref<100000x128xf32, #tpu.memory_space<hbm>> -> memref<100000x128xf32, #tpu.memory_space<hbm>>
      tpu.enqueue_indirect_dma source(%dma_start3A_476 : memref<100000x128xf32, #tpu.memory_space<hbm>>) target(%dma_start3A_470 : memref<128x128xf32, #tpu.memory_space<vmem>>) offsets(%dma_start3A_473 : memref<128xi32, #tpu.memory_space<vmem>>) semaphore(%arg8 : memref<!tpu.dma_semaphore, #tpu.memory_space<semaphore_mem>>)
      %add3A_477 = arith.constant 2 : i32
      %add3A_478 = arith.addi %add3A_337, %add3A_477 : i32
      %dma_wait3A_479 = arith.constant 2 : i32
      %dma_wait3A_480 = arith.constant 0 : i32
      %dma_wait3A_481 = arith.constant 0 : i32
      %dma_wait3A_482 = tpu.memref_slice %arg6[%dma_wait3A_479, %dma_wait3A_480, %dma_wait3A_481] : memref<5x128x128xf32, #tpu.memory_space<vmem>> -> memref<1x128x128xf32, #tpu.memory_space<vmem>>
      %dma_wait3A_483 = tpu.memref_squeeze %dma_wait3A_482 : memref<1x128x128xf32, #tpu.memory_space<vmem>> -> memref<128x128xf32, #tpu.memory_space<vmem>>
      %dma_wait3A_484 = arith.constant 0 : i32
      %dma_wait3A_485 = tpu.memref_slice %arg5[%add3A_478, %dma_wait3A_484] : memref<200x128xi32, #tpu.memory_space<vmem>> -> memref<1x128xi32, #tpu.memory_space<vmem>>
      %dma_wait3A_486 = tpu.memref_squeeze %dma_wait3A_485 : memref<1x128xi32, #tpu.memory_space<vmem>> -> memref<128xi32, #tpu.memory_space<vmem>>
      %dma_wait3A_487 = arith.constant 0 : i32
      %dma_wait3A_488 = arith.constant 0 : i32
      %dma_wait3A_489 = tpu.memref_slice %arg2[%dma_wait3A_487, %dma_wait3A_488] : memref<100000x128xf32, #tpu.memory_space<hbm>> -> memref<100000x128xf32, #tpu.memory_space<hbm>>
      tpu.wait_indirect_dma semaphore(%arg9 : memref<!tpu.dma_semaphore, #tpu.memory_space<semaphore_mem>>) src(%dma_wait3A_489 : memref<100000x128xf32, #tpu.memory_space<hbm>>) dst(%dma_wait3A_483 : memref<128x128xf32, #tpu.memory_space<vmem>>)
      %mul3A_490 = arith.constant 200 : i32
      %mul3A_491 = arith.muli %add3A, %mul3A_490 : i32
      %add3A_492 = arith.addi %mul3A_491, %add3A_478 : i32
      %dma_start3A_493 = arith.constant 2 : i32
      %dma_start3A_494 = arith.constant 0 : i32
      %dma_start3A_495 = arith.constant 0 : i32
      %dma_start3A_496 = tpu.memref_slice %arg6[%dma_start3A_493, %dma_start3A_494, %dma_start3A_495] : memref<5x128x128xf32, #tpu.memory_space<vmem>> -> memref<1x128x128xf32, #tpu.memory_space<vmem>>
      %dma_start3A_497 = tpu.memref_squeeze %dma_start3A_496 : memref<1x128x128xf32, #tpu.memory_space<vmem>> -> memref<128x128xf32, #tpu.memory_space<vmem>>
      %dma_start3A_498 = arith.constant 0 : i32
      %dma_start3A_499 = arith.constant 0 : i32
      %dma_start3A_500 = tpu.memref_slice %arg4[%add3A_492, %dma_start3A_498, %dma_start3A_499] : memref<6400x128x128xf32, #tpu.memory_space<hbm>> -> memref<1x128x128xf32, #tpu.memory_space<hbm>>
      %dma_start3A_501 = tpu.memref_squeeze %dma_start3A_500 : memref<1x128x128xf32, #tpu.memory_space<hbm>> -> memref<128x128xf32, #tpu.memory_space<hbm>>
      %dma_start3A_502 = arith.constant 0 : i32
      %dma_start3A_503 = arith.constant 0 : i32
      %dma_start3A_504 = tpu.memref_slice %arg4[%add3A_492, %dma_start3A_502, %dma_start3A_503] : memref<6400x128x128xf32, #tpu.memory_space<hbm>> -> memref<1x128x128xf32, #tpu.memory_space<hbm>>
      %dma_start3A_505 = tpu.memref_squeeze %dma_start3A_504 : memref<1x128x128xf32, #tpu.memory_space<hbm>> -> memref<128x128xf32, #tpu.memory_space<hbm>>
      %dma_start3A_506 = arith.constant 0 : i32
      %dma_start3A_507 = arith.constant 0 : i32
      %dma_start3A_508 = tpu.memref_slice %arg6[%dma_start3A_493, %dma_start3A_506, %dma_start3A_507] : memref<5x128x128xf32, #tpu.memory_space<vmem>> -> memref<1x128x128xf32, #tpu.memory_space<vmem>>
      %dma_start3A_509 = tpu.memref_squeeze %dma_start3A_508 : memref<1x128x128xf32, #tpu.memory_space<vmem>> -> memref<128x128xf32, #tpu.memory_space<vmem>>
      tpu.enqueue_dma source(%dma_start3A_509 : memref<128x128xf32, #tpu.memory_space<vmem>>) target(%dma_start3A_505 : memref<128x128xf32, #tpu.memory_space<hbm>>) target_semaphore(%arg14 : memref<!tpu.dma_semaphore, #tpu.memory_space<semaphore_mem>>)
      %sub3A_510 = arith.constant 0 : i32
      %sub3A_511 = arith.subi %add3A_478, %sub3A_510 : i32
      %mul3A_512 = arith.constant 200 : i32
      %mul3A_513 = arith.muli %add3A, %mul3A_512 : i32
      %add3A_514 = arith.addi %mul3A_513, %sub3A_511 : i32
      %dma_wait3A_515 = arith.constant 2 : i32
      %dma_wait3A_516 = arith.constant 0 : i32
      %dma_wait3A_517 = arith.constant 0 : i32
      %dma_wait3A_518 = tpu.memref_slice %arg6[%dma_wait3A_515, %dma_wait3A_516, %dma_wait3A_517] : memref<5x128x128xf32, #tpu.memory_space<vmem>> -> memref<1x128x128xf32, #tpu.memory_space<vmem>>
      %dma_wait3A_519 = tpu.memref_squeeze %dma_wait3A_518 : memref<1x128x128xf32, #tpu.memory_space<vmem>> -> memref<128x128xf32, #tpu.memory_space<vmem>>
      %dma_wait3A_520 = arith.constant 0 : i32
      %dma_wait3A_521 = arith.constant 0 : i32
      %dma_wait3A_522 = tpu.memref_slice %arg4[%add3A_514, %dma_wait3A_520, %dma_wait3A_521] : memref<6400x128x128xf32, #tpu.memory_space<hbm>> -> memref<1x128x128xf32, #tpu.memory_space<hbm>>
      %dma_wait3A_523 = tpu.memref_squeeze %dma_wait3A_522 : memref<1x128x128xf32, #tpu.memory_space<hbm>> -> memref<128x128xf32, #tpu.memory_space<hbm>>
      %dma_wait3A_524 = arith.constant 0 : i32
      %dma_wait3A_525 = arith.constant 0 : i32
      %dma_wait3A_526 = tpu.memref_slice %arg4[%add3A_514, %dma_wait3A_524, %dma_wait3A_525] : memref<6400x128x128xf32, #tpu.memory_space<hbm>> -> memref<1x128x128xf32, #tpu.memory_space<hbm>>
      %dma_wait3A_527 = tpu.memref_squeeze %dma_wait3A_526 : memref<1x128x128xf32, #tpu.memory_space<hbm>> -> memref<128x128xf32, #tpu.memory_space<hbm>>
      %dma_wait3A_528 = arith.constant 0 : i32
      %dma_wait3A_529 = arith.constant 0 : i32
      %dma_wait3A_530 = tpu.memref_slice %arg6[%dma_wait3A_515, %dma_wait3A_528, %dma_wait3A_529] : memref<5x128x128xf32, #tpu.memory_space<vmem>> -> memref<1x128x128xf32, #tpu.memory_space<vmem>>
      %dma_wait3A_531 = tpu.memref_squeeze %dma_wait3A_530 : memref<1x128x128xf32, #tpu.memory_space<vmem>> -> memref<128x128xf32, #tpu.memory_space<vmem>>
      tpu.wait_dma2 semaphore(%arg14 : memref<!tpu.dma_semaphore, #tpu.memory_space<semaphore_mem>>) src(%dma_wait3A_531 : memref<128x128xf32, #tpu.memory_space<vmem>>) dst(%dma_wait3A_527 : memref<128x128xf32, #tpu.memory_space<hbm>>)
      %sub3A_532 = arith.constant 0 : i32
      %sub3A_533 = arith.subi %add3A_478, %sub3A_532 : i32
      %add3A_534 = arith.constant 5 : i32
      %add3A_535 = arith.addi %sub3A_533, %add3A_534 : i32
      %dma_start3A_536 = arith.constant 2 : i32
      %dma_start3A_537 = arith.constant 0 : i32
      %dma_start3A_538 = arith.constant 0 : i32
      %dma_start3A_539 = tpu.memref_slice %arg6[%dma_start3A_536, %dma_start3A_537, %dma_start3A_538] : memref<5x128x128xf32, #tpu.memory_space<vmem>> -> memref<1x128x128xf32, #tpu.memory_space<vmem>>
      %dma_start3A_540 = tpu.memref_squeeze %dma_start3A_539 : memref<1x128x128xf32, #tpu.memory_space<vmem>> -> memref<128x128xf32, #tpu.memory_space<vmem>>
      %dma_start3A_541 = arith.constant 0 : i32
      %dma_start3A_542 = tpu.memref_slice %arg5[%add3A_535, %dma_start3A_541] : memref<200x128xi32, #tpu.memory_space<vmem>> -> memref<1x128xi32, #tpu.memory_space<vmem>>
      %dma_start3A_543 = tpu.memref_squeeze %dma_start3A_542 : memref<1x128xi32, #tpu.memory_space<vmem>> -> memref<128xi32, #tpu.memory_space<vmem>>
      %dma_start3A_544 = arith.constant 0 : i32
      %dma_start3A_545 = arith.constant 0 : i32
      %dma_start3A_546 = tpu.memref_slice %arg2[%dma_start3A_544, %dma_start3A_545] : memref<100000x128xf32, #tpu.memory_space<hbm>> -> memref<100000x128xf32, #tpu.memory_space<hbm>>
      tpu.enqueue_indirect_dma source(%dma_start3A_546 : memref<100000x128xf32, #tpu.memory_space<hbm>>) target(%dma_start3A_540 : memref<128x128xf32, #tpu.memory_space<vmem>>) offsets(%dma_start3A_543 : memref<128xi32, #tpu.memory_space<vmem>>) semaphore(%arg9 : memref<!tpu.dma_semaphore, #tpu.memory_space<semaphore_mem>>)
      %add3A_547 = arith.constant 3 : i32
      %add3A_548 = arith.addi %add3A_337, %add3A_547 : i32
      %dma_wait3A_549 = arith.constant 3 : i32
      %dma_wait3A_550 = arith.constant 0 : i32
      %dma_wait3A_551 = arith.constant 0 : i32
      %dma_wait3A_552 = tpu.memref_slice %arg6[%dma_wait3A_549, %dma_wait3A_550, %dma_wait3A_551] : memref<5x128x128xf32, #tpu.memory_space<vmem>> -> memref<1x128x128xf32, #tpu.memory_space<vmem>>
      %dma_wait3A_553 = tpu.memref_squeeze %dma_wait3A_552 : memref<1x128x128xf32, #tpu.memory_space<vmem>> -> memref<128x128xf32, #tpu.memory_space<vmem>>
      %dma_wait3A_554 = arith.constant 0 : i32
      %dma_wait3A_555 = tpu.memref_slice %arg5[%add3A_548, %dma_wait3A_554] : memref<200x128xi32, #tpu.memory_space<vmem>> -> memref<1x128xi32, #tpu.memory_space<vmem>>
      %dma_wait3A_556 = tpu.memref_squeeze %dma_wait3A_555 : memref<1x128xi32, #tpu.memory_space<vmem>> -> memref<128xi32, #tpu.memory_space<vmem>>
      %dma_wait3A_557 = arith.constant 0 : i32
      %dma_wait3A_558 = arith.constant 0 : i32
      %dma_wait3A_559 = tpu.memref_slice %arg2[%dma_wait3A_557, %dma_wait3A_558] : memref<100000x128xf32, #tpu.memory_space<hbm>> -> memref<100000x128xf32, #tpu.memory_space<hbm>>
      tpu.wait_indirect_dma semaphore(%arg10 : memref<!tpu.dma_semaphore, #tpu.memory_space<semaphore_mem>>) src(%dma_wait3A_559 : memref<100000x128xf32, #tpu.memory_space<hbm>>) dst(%dma_wait3A_553 : memref<128x128xf32, #tpu.memory_space<vmem>>)
      %mul3A_560 = arith.constant 200 : i32
      %mul3A_561 = arith.muli %add3A, %mul3A_560 : i32
      %add3A_562 = arith.addi %mul3A_561, %add3A_548 : i32
      %dma_start3A_563 = arith.constant 3 : i32
      %dma_start3A_564 = arith.constant 0 : i32
      %dma_start3A_565 = arith.constant 0 : i32
      %dma_start3A_566 = tpu.memref_slice %arg6[%dma_start3A_563, %dma_start3A_564, %dma_start3A_565] : memref<5x128x128xf32, #tpu.memory_space<vmem>> -> memref<1x128x128xf32, #tpu.memory_space<vmem>>
      %dma_start3A_567 = tpu.memref_squeeze %dma_start3A_566 : memref<1x128x128xf32, #tpu.memory_space<vmem>> -> memref<128x128xf32, #tpu.memory_space<vmem>>
      %dma_start3A_568 = arith.constant 0 : i32
      %dma_start3A_569 = arith.constant 0 : i32
      %dma_start3A_570 = tpu.memref_slice %arg4[%add3A_562, %dma_start3A_568, %dma_start3A_569] : memref<6400x128x128xf32, #tpu.memory_space<hbm>> -> memref<1x128x128xf32, #tpu.memory_space<hbm>>
      %dma_start3A_571 = tpu.memref_squeeze %dma_start3A_570 : memref<1x128x128xf32, #tpu.memory_space<hbm>> -> memref<128x128xf32, #tpu.memory_space<hbm>>
      %dma_start3A_572 = arith.constant 0 : i32
      %dma_start3A_573 = arith.constant 0 : i32
      %dma_start3A_574 = tpu.memref_slice %arg4[%add3A_562, %dma_start3A_572, %dma_start3A_573] : memref<6400x128x128xf32, #tpu.memory_space<hbm>> -> memref<1x128x128xf32, #tpu.memory_space<hbm>>
      %dma_start3A_575 = tpu.memref_squeeze %dma_start3A_574 : memref<1x128x128xf32, #tpu.memory_space<hbm>> -> memref<128x128xf32, #tpu.memory_space<hbm>>
      %dma_start3A_576 = arith.constant 0 : i32
      %dma_start3A_577 = arith.constant 0 : i32
      %dma_start3A_578 = tpu.memref_slice %arg6[%dma_start3A_563, %dma_start3A_576, %dma_start3A_577] : memref<5x128x128xf32, #tpu.memory_space<vmem>> -> memref<1x128x128xf32, #tpu.memory_space<vmem>>
      %dma_start3A_579 = tpu.memref_squeeze %dma_start3A_578 : memref<1x128x128xf32, #tpu.memory_space<vmem>> -> memref<128x128xf32, #tpu.memory_space<vmem>>
      tpu.enqueue_dma source(%dma_start3A_579 : memref<128x128xf32, #tpu.memory_space<vmem>>) target(%dma_start3A_575 : memref<128x128xf32, #tpu.memory_space<hbm>>) target_semaphore(%arg15 : memref<!tpu.dma_semaphore, #tpu.memory_space<semaphore_mem>>)
      %sub3A_580 = arith.constant 0 : i32
      %sub3A_581 = arith.subi %add3A_548, %sub3A_580 : i32
      %mul3A_582 = arith.constant 200 : i32
      %mul3A_583 = arith.muli %add3A, %mul3A_582 : i32
      %add3A_584 = arith.addi %mul3A_583, %sub3A_581 : i32
      %dma_wait3A_585 = arith.constant 3 : i32
      %dma_wait3A_586 = arith.constant 0 : i32
      %dma_wait3A_587 = arith.constant 0 : i32
      %dma_wait3A_588 = tpu.memref_slice %arg6[%dma_wait3A_585, %dma_wait3A_586, %dma_wait3A_587] : memref<5x128x128xf32, #tpu.memory_space<vmem>> -> memref<1x128x128xf32, #tpu.memory_space<vmem>>
      %dma_wait3A_589 = tpu.memref_squeeze %dma_wait3A_588 : memref<1x128x128xf32, #tpu.memory_space<vmem>> -> memref<128x128xf32, #tpu.memory_space<vmem>>
      %dma_wait3A_590 = arith.constant 0 : i32
      %dma_wait3A_591 = arith.constant 0 : i32
      %dma_wait3A_592 = tpu.memref_slice %arg4[%add3A_584, %dma_wait3A_590, %dma_wait3A_591] : memref<6400x128x128xf32, #tpu.memory_space<hbm>> -> memref<1x128x128xf32, #tpu.memory_space<hbm>>
      %dma_wait3A_593 = tpu.memref_squeeze %dma_wait3A_592 : memref<1x128x128xf32, #tpu.memory_space<hbm>> -> memref<128x128xf32, #tpu.memory_space<hbm>>
      %dma_wait3A_594 = arith.constant 0 : i32
      %dma_wait3A_595 = arith.constant 0 : i32
      %dma_wait3A_596 = tpu.memref_slice %arg4[%add3A_584, %dma_wait3A_594, %dma_wait3A_595] : memref<6400x128x128xf32, #tpu.memory_space<hbm>> -> memref<1x128x128xf32, #tpu.memory_space<hbm>>
      %dma_wait3A_597 = tpu.memref_squeeze %dma_wait3A_596 : memref<1x128x128xf32, #tpu.memory_space<hbm>> -> memref<128x128xf32, #tpu.memory_space<hbm>>
      %dma_wait3A_598 = arith.constant 0 : i32
      %dma_wait3A_599 = arith.constant 0 : i32
      %dma_wait3A_600 = tpu.memref_slice %arg6[%dma_wait3A_585, %dma_wait3A_598, %dma_wait3A_599] : memref<5x128x128xf32, #tpu.memory_space<vmem>> -> memref<1x128x128xf32, #tpu.memory_space<vmem>>
      %dma_wait3A_601 = tpu.memref_squeeze %dma_wait3A_600 : memref<1x128x128xf32, #tpu.memory_space<vmem>> -> memref<128x128xf32, #tpu.memory_space<vmem>>
      tpu.wait_dma2 semaphore(%arg15 : memref<!tpu.dma_semaphore, #tpu.memory_space<semaphore_mem>>) src(%dma_wait3A_601 : memref<128x128xf32, #tpu.memory_space<vmem>>) dst(%dma_wait3A_597 : memref<128x128xf32, #tpu.memory_space<hbm>>)
      %sub3A_602 = arith.constant 0 : i32
      %sub3A_603 = arith.subi %add3A_548, %sub3A_602 : i32
      %add3A_604 = arith.constant 5 : i32
      %add3A_605 = arith.addi %sub3A_603, %add3A_604 : i32
      %dma_start3A_606 = arith.constant 3 : i32
      %dma_start3A_607 = arith.constant 0 : i32
      %dma_start3A_608 = arith.constant 0 : i32
      %dma_start3A_609 = tpu.memref_slice %arg6[%dma_start3A_606, %dma_start3A_607, %dma_start3A_608] : memref<5x128x128xf32, #tpu.memory_space<vmem>> -> memref<1x128x128xf32, #tpu.memory_space<vmem>>
      %dma_start3A_610 = tpu.memref_squeeze %dma_start3A_609 : memref<1x128x128xf32, #tpu.memory_space<vmem>> -> memref<128x128xf32, #tpu.memory_space<vmem>>
      %dma_start3A_611 = arith.constant 0 : i32
      %dma_start3A_612 = tpu.memref_slice %arg5[%add3A_605, %dma_start3A_611] : memref<200x128xi32, #tpu.memory_space<vmem>> -> memref<1x128xi32, #tpu.memory_space<vmem>>
      %dma_start3A_613 = tpu.memref_squeeze %dma_start3A_612 : memref<1x128xi32, #tpu.memory_space<vmem>> -> memref<128xi32, #tpu.memory_space<vmem>>
      %dma_start3A_614 = arith.constant 0 : i32
      %dma_start3A_615 = arith.constant 0 : i32
      %dma_start3A_616 = tpu.memref_slice %arg2[%dma_start3A_614, %dma_start3A_615] : memref<100000x128xf32, #tpu.memory_space<hbm>> -> memref<100000x128xf32, #tpu.memory_space<hbm>>
      tpu.enqueue_indirect_dma source(%dma_start3A_616 : memref<100000x128xf32, #tpu.memory_space<hbm>>) target(%dma_start3A_610 : memref<128x128xf32, #tpu.memory_space<vmem>>) offsets(%dma_start3A_613 : memref<128xi32, #tpu.memory_space<vmem>>) semaphore(%arg10 : memref<!tpu.dma_semaphore, #tpu.memory_space<semaphore_mem>>)
      %add3A_617 = arith.constant 4 : i32
      %add3A_618 = arith.addi %add3A_337, %add3A_617 : i32
      %dma_wait3A_619 = arith.constant 4 : i32
      %dma_wait3A_620 = arith.constant 0 : i32
      %dma_wait3A_621 = arith.constant 0 : i32
      %dma_wait3A_622 = tpu.memref_slice %arg6[%dma_wait3A_619, %dma_wait3A_620, %dma_wait3A_621] : memref<5x128x128xf32, #tpu.memory_space<vmem>> -> memref<1x128x128xf32, #tpu.memory_space<vmem>>
      %dma_wait3A_623 = tpu.memref_squeeze %dma_wait3A_622 : memref<1x128x128xf32, #tpu.memory_space<vmem>> -> memref<128x128xf32, #tpu.memory_space<vmem>>
      %dma_wait3A_624 = arith.constant 0 : i32
      %dma_wait3A_625 = tpu.memref_slice %arg5[%add3A_618, %dma_wait3A_624] : memref<200x128xi32, #tpu.memory_space<vmem>> -> memref<1x128xi32, #tpu.memory_space<vmem>>
      %dma_wait3A_626 = tpu.memref_squeeze %dma_wait3A_625 : memref<1x128xi32, #tpu.memory_space<vmem>> -> memref<128xi32, #tpu.memory_space<vmem>>
      %dma_wait3A_627 = arith.constant 0 : i32
      %dma_wait3A_628 = arith.constant 0 : i32
      %dma_wait3A_629 = tpu.memref_slice %arg2[%dma_wait3A_627, %dma_wait3A_628] : memref<100000x128xf32, #tpu.memory_space<hbm>> -> memref<100000x128xf32, #tpu.memory_space<hbm>>
      tpu.wait_indirect_dma semaphore(%arg11 : memref<!tpu.dma_semaphore, #tpu.memory_space<semaphore_mem>>) src(%dma_wait3A_629 : memref<100000x128xf32, #tpu.memory_space<hbm>>) dst(%dma_wait3A_623 : memref<128x128xf32, #tpu.memory_space<vmem>>)
      %mul3A_630 = arith.constant 200 : i32
      %mul3A_631 = arith.muli %add3A, %mul3A_630 : i32
      %add3A_632 = arith.addi %mul3A_631, %add3A_618 : i32
      %dma_start3A_633 = arith.constant 4 : i32
      %dma_start3A_634 = arith.constant 0 : i32
      %dma_start3A_635 = arith.constant 0 : i32
      %dma_start3A_636 = tpu.memref_slice %arg6[%dma_start3A_633, %dma_start3A_634, %dma_start3A_635] : memref<5x128x128xf32, #tpu.memory_space<vmem>> -> memref<1x128x128xf32, #tpu.memory_space<vmem>>
      %dma_start3A_637 = tpu.memref_squeeze %dma_start3A_636 : memref<1x128x128xf32, #tpu.memory_space<vmem>> -> memref<128x128xf32, #tpu.memory_space<vmem>>
      %dma_start3A_638 = arith.constant 0 : i32
      %dma_start3A_639 = arith.constant 0 : i32
      %dma_start3A_640 = tpu.memref_slice %arg4[%add3A_632, %dma_start3A_638, %dma_start3A_639] : memref<6400x128x128xf32, #tpu.memory_space<hbm>> -> memref<1x128x128xf32, #tpu.memory_space<hbm>>
      %dma_start3A_641 = tpu.memref_squeeze %dma_start3A_640 : memref<1x128x128xf32, #tpu.memory_space<hbm>> -> memref<128x128xf32, #tpu.memory_space<hbm>>
      %dma_start3A_642 = arith.constant 0 : i32
      %dma_start3A_643 = arith.constant 0 : i32
      %dma_start3A_644 = tpu.memref_slice %arg4[%add3A_632, %dma_start3A_642, %dma_start3A_643] : memref<6400x128x128xf32, #tpu.memory_space<hbm>> -> memref<1x128x128xf32, #tpu.memory_space<hbm>>
      %dma_start3A_645 = tpu.memref_squeeze %dma_start3A_644 : memref<1x128x128xf32, #tpu.memory_space<hbm>> -> memref<128x128xf32, #tpu.memory_space<hbm>>
      %dma_start3A_646 = arith.constant 0 : i32
      %dma_start3A_647 = arith.constant 0 : i32
      %dma_start3A_648 = tpu.memref_slice %arg6[%dma_start3A_633, %dma_start3A_646, %dma_start3A_647] : memref<5x128x128xf32, #tpu.memory_space<vmem>> -> memref<1x128x128xf32, #tpu.memory_space<vmem>>
      %dma_start3A_649 = tpu.memref_squeeze %dma_start3A_648 : memref<1x128x128xf32, #tpu.memory_space<vmem>> -> memref<128x128xf32, #tpu.memory_space<vmem>>
      tpu.enqueue_dma source(%dma_start3A_649 : memref<128x128xf32, #tpu.memory_space<vmem>>) target(%dma_start3A_645 : memref<128x128xf32, #tpu.memory_space<hbm>>) target_semaphore(%arg16 : memref<!tpu.dma_semaphore, #tpu.memory_space<semaphore_mem>>)
      %sub3A_650 = arith.constant 0 : i32
      %sub3A_651 = arith.subi %add3A_618, %sub3A_650 : i32
      %mul3A_652 = arith.constant 200 : i32
      %mul3A_653 = arith.muli %add3A, %mul3A_652 : i32
      %add3A_654 = arith.addi %mul3A_653, %sub3A_651 : i32
      %dma_wait3A_655 = arith.constant 4 : i32
      %dma_wait3A_656 = arith.constant 0 : i32
      %dma_wait3A_657 = arith.constant 0 : i32
      %dma_wait3A_658 = tpu.memref_slice %arg6[%dma_wait3A_655, %dma_wait3A_656, %dma_wait3A_657] : memref<5x128x128xf32, #tpu.memory_space<vmem>> -> memref<1x128x128xf32, #tpu.memory_space<vmem>>
      %dma_wait3A_659 = tpu.memref_squeeze %dma_wait3A_658 : memref<1x128x128xf32, #tpu.memory_space<vmem>> -> memref<128x128xf32, #tpu.memory_space<vmem>>
      %dma_wait3A_660 = arith.constant 0 : i32
      %dma_wait3A_661 = arith.constant 0 : i32
      %dma_wait3A_662 = tpu.memref_slice %arg4[%add3A_654, %dma_wait3A_660, %dma_wait3A_661] : memref<6400x128x128xf32, #tpu.memory_space<hbm>> -> memref<1x128x128xf32, #tpu.memory_space<hbm>>
      %dma_wait3A_663 = tpu.memref_squeeze %dma_wait3A_662 : memref<1x128x128xf32, #tpu.memory_space<hbm>> -> memref<128x128xf32, #tpu.memory_space<hbm>>
      %dma_wait3A_664 = arith.constant 0 : i32
      %dma_wait3A_665 = arith.constant 0 : i32
      %dma_wait3A_666 = tpu.memref_slice %arg4[%add3A_654, %dma_wait3A_664, %dma_wait3A_665] : memref<6400x128x128xf32, #tpu.memory_space<hbm>> -> memref<1x128x128xf32, #tpu.memory_space<hbm>>
      %dma_wait3A_667 = tpu.memref_squeeze %dma_wait3A_666 : memref<1x128x128xf32, #tpu.memory_space<hbm>> -> memref<128x128xf32, #tpu.memory_space<hbm>>
      %dma_wait3A_668 = arith.constant 0 : i32
      %dma_wait3A_669 = arith.constant 0 : i32
      %dma_wait3A_670 = tpu.memref_slice %arg6[%dma_wait3A_655, %dma_wait3A_668, %dma_wait3A_669] : memref<5x128x128xf32, #tpu.memory_space<vmem>> -> memref<1x128x128xf32, #tpu.memory_space<vmem>>
      %dma_wait3A_671 = tpu.memref_squeeze %dma_wait3A_670 : memref<1x128x128xf32, #tpu.memory_space<vmem>> -> memref<128x128xf32, #tpu.memory_space<vmem>>
      tpu.wait_dma2 semaphore(%arg16 : memref<!tpu.dma_semaphore, #tpu.memory_space<semaphore_mem>>) src(%dma_wait3A_671 : memref<128x128xf32, #tpu.memory_space<vmem>>) dst(%dma_wait3A_667 : memref<128x128xf32, #tpu.memory_space<hbm>>)
      %sub3A_672 = arith.constant 0 : i32
      %sub3A_673 = arith.subi %add3A_618, %sub3A_672 : i32
      %add3A_674 = arith.constant 5 : i32
      %add3A_675 = arith.addi %sub3A_673, %add3A_674 : i32
      %dma_start3A_676 = arith.constant 4 : i32
      %dma_start3A_677 = arith.constant 0 : i32
      %dma_start3A_678 = arith.constant 0 : i32
      %dma_start3A_679 = tpu.memref_slice %arg6[%dma_start3A_676, %dma_start3A_677, %dma_start3A_678] : memref<5x128x128xf32, #tpu.memory_space<vmem>> -> memref<1x128x128xf32, #tpu.memory_space<vmem>>
      %dma_start3A_680 = tpu.memref_squeeze %dma_start3A_679 : memref<1x128x128xf32, #tpu.memory_space<vmem>> -> memref<128x128xf32, #tpu.memory_space<vmem>>
      %dma_start3A_681 = arith.constant 0 : i32
      %dma_start3A_682 = tpu.memref_slice %arg5[%add3A_675, %dma_start3A_681] : memref<200x128xi32, #tpu.memory_space<vmem>> -> memref<1x128xi32, #tpu.memory_space<vmem>>
      %dma_start3A_683 = tpu.memref_squeeze %dma_start3A_682 : memref<1x128xi32, #tpu.memory_space<vmem>> -> memref<128xi32, #tpu.memory_space<vmem>>
      %dma_start3A_684 = arith.constant 0 : i32
      %dma_start3A_685 = arith.constant 0 : i32
      %dma_start3A_686 = tpu.memref_slice %arg2[%dma_start3A_684, %dma_start3A_685] : memref<100000x128xf32, #tpu.memory_space<hbm>> -> memref<100000x128xf32, #tpu.memory_space<hbm>>
      tpu.enqueue_indirect_dma source(%dma_start3A_686 : memref<100000x128xf32, #tpu.memory_space<hbm>>) target(%dma_start3A_680 : memref<128x128xf32, #tpu.memory_space<vmem>>) offsets(%dma_start3A_683 : memref<128xi32, #tpu.memory_space<vmem>>) semaphore(%arg11 : memref<!tpu.dma_semaphore, #tpu.memory_space<semaphore_mem>>)
    }
    %scan3A_63 = arith.constant 39 : i32
    %dma_wait3A = arith.constant 195 : i32
    %dma_wait3A_64 = arith.constant 0 : i32
    %dma_wait3A_65 = arith.constant 0 : i32
    %dma_wait3A_66 = arith.constant 0 : i32
    %dma_wait3A_67 = tpu.memref_slice %arg6[%dma_wait3A_64, %dma_wait3A_65, %dma_wait3A_66] : memref<5x128x128xf32, #tpu.memory_space<vmem>> -> memref<1x128x128xf32, #tpu.memory_space<vmem>>
    %dma_wait3A_68 = tpu.memref_squeeze %dma_wait3A_67 : memref<1x128x128xf32, #tpu.memory_space<vmem>> -> memref<128x128xf32, #tpu.memory_space<vmem>>
    %dma_wait3A_69 = arith.constant 0 : i32
    %dma_wait3A_70 = tpu.memref_slice %arg5[%dma_wait3A, %dma_wait3A_69] : memref<200x128xi32, #tpu.memory_space<vmem>> -> memref<1x128xi32, #tpu.memory_space<vmem>>
    %dma_wait3A_71 = tpu.memref_squeeze %dma_wait3A_70 : memref<1x128xi32, #tpu.memory_space<vmem>> -> memref<128xi32, #tpu.memory_space<vmem>>
    %dma_wait3A_72 = arith.constant 0 : i32
    %dma_wait3A_73 = arith.constant 0 : i32
    %dma_wait3A_74 = tpu.memref_slice %arg2[%dma_wait3A_72, %dma_wait3A_73] : memref<100000x128xf32, #tpu.memory_space<hbm>> -> memref<100000x128xf32, #tpu.memory_space<hbm>>
    tpu.wait_indirect_dma semaphore(%arg7 : memref<!tpu.dma_semaphore, #tpu.memory_space<semaphore_mem>>) src(%dma_wait3A_74 : memref<100000x128xf32, #tpu.memory_space<hbm>>) dst(%dma_wait3A_68 : memref<128x128xf32, #tpu.memory_space<vmem>>)
    %mul3A_75 = arith.constant 200 : i32
    %mul3A_76 = arith.muli %add3A, %mul3A_75 : i32
    %add3A_77 = arith.constant 195 : i32
    %add3A_78 = arith.addi %mul3A_76, %add3A_77 : i32
    %dma_start3A_79 = arith.constant 0 : i32
    %dma_start3A_80 = arith.constant 0 : i32
    %dma_start3A_81 = arith.constant 0 : i32
    %dma_start3A_82 = tpu.memref_slice %arg6[%dma_start3A_79, %dma_start3A_80, %dma_start3A_81] : memref<5x128x128xf32, #tpu.memory_space<vmem>> -> memref<1x128x128xf32, #tpu.memory_space<vmem>>
    %dma_start3A_83 = tpu.memref_squeeze %dma_start3A_82 : memref<1x128x128xf32, #tpu.memory_space<vmem>> -> memref<128x128xf32, #tpu.memory_space<vmem>>
    %dma_start3A_84 = arith.constant 0 : i32
    %dma_start3A_85 = arith.constant 0 : i32
    %dma_start3A_86 = tpu.memref_slice %arg4[%add3A_78, %dma_start3A_84, %dma_start3A_85] : memref<6400x128x128xf32, #tpu.memory_space<hbm>> -> memref<1x128x128xf32, #tpu.memory_space<hbm>>
    %dma_start3A_87 = tpu.memref_squeeze %dma_start3A_86 : memref<1x128x128xf32, #tpu.memory_space<hbm>> -> memref<128x128xf32, #tpu.memory_space<hbm>>
    %dma_start3A_88 = arith.constant 0 : i32
    %dma_start3A_89 = arith.constant 0 : i32
    %dma_start3A_90 = tpu.memref_slice %arg4[%add3A_78, %dma_start3A_88, %dma_start3A_89] : memref<6400x128x128xf32, #tpu.memory_space<hbm>> -> memref<1x128x128xf32, #tpu.memory_space<hbm>>
    %dma_start3A_91 = tpu.memref_squeeze %dma_start3A_90 : memref<1x128x128xf32, #tpu.memory_space<hbm>> -> memref<128x128xf32, #tpu.memory_space<hbm>>
    %dma_start3A_92 = arith.constant 0 : i32
    %dma_start3A_93 = arith.constant 0 : i32
    %dma_start3A_94 = tpu.memref_slice %arg6[%dma_start3A_79, %dma_start3A_92, %dma_start3A_93] : memref<5x128x128xf32, #tpu.memory_space<vmem>> -> memref<1x128x128xf32, #tpu.memory_space<vmem>>
    %dma_start3A_95 = tpu.memref_squeeze %dma_start3A_94 : memref<1x128x128xf32, #tpu.memory_space<vmem>> -> memref<128x128xf32, #tpu.memory_space<vmem>>
    tpu.enqueue_dma source(%dma_start3A_95 : memref<128x128xf32, #tpu.memory_space<vmem>>) target(%dma_start3A_91 : memref<128x128xf32, #tpu.memory_space<hbm>>) target_semaphore(%arg12 : memref<!tpu.dma_semaphore, #tpu.memory_space<semaphore_mem>>)
    %dma_wait3A_96 = arith.constant 196 : i32
    %dma_wait3A_97 = arith.constant 1 : i32
    %dma_wait3A_98 = arith.constant 0 : i32
    %dma_wait3A_99 = arith.constant 0 : i32
    %dma_wait3A_100 = tpu.memref_slice %arg6[%dma_wait3A_97, %dma_wait3A_98, %dma_wait3A_99] : memref<5x128x128xf32, #tpu.memory_space<vmem>> -> memref<1x128x128xf32, #tpu.memory_space<vmem>>
    %dma_wait3A_101 = tpu.memref_squeeze %dma_wait3A_100 : memref<1x128x128xf32, #tpu.memory_space<vmem>> -> memref<128x128xf32, #tpu.memory_space<vmem>>
    %dma_wait3A_102 = arith.constant 0 : i32
    %dma_wait3A_103 = tpu.memref_slice %arg5[%dma_wait3A_96, %dma_wait3A_102] : memref<200x128xi32, #tpu.memory_space<vmem>> -> memref<1x128xi32, #tpu.memory_space<vmem>>
    %dma_wait3A_104 = tpu.memref_squeeze %dma_wait3A_103 : memref<1x128xi32, #tpu.memory_space<vmem>> -> memref<128xi32, #tpu.memory_space<vmem>>
    %dma_wait3A_105 = arith.constant 0 : i32
    %dma_wait3A_106 = arith.constant 0 : i32
    %dma_wait3A_107 = tpu.memref_slice %arg2[%dma_wait3A_105, %dma_wait3A_106] : memref<100000x128xf32, #tpu.memory_space<hbm>> -> memref<100000x128xf32, #tpu.memory_space<hbm>>
    tpu.wait_indirect_dma semaphore(%arg8 : memref<!tpu.dma_semaphore, #tpu.memory_space<semaphore_mem>>) src(%dma_wait3A_107 : memref<100000x128xf32, #tpu.memory_space<hbm>>) dst(%dma_wait3A_101 : memref<128x128xf32, #tpu.memory_space<vmem>>)
    %mul3A_108 = arith.constant 200 : i32
    %mul3A_109 = arith.muli %add3A, %mul3A_108 : i32
    %add3A_110 = arith.constant 196 : i32
    %add3A_111 = arith.addi %mul3A_109, %add3A_110 : i32
    %dma_start3A_112 = arith.constant 1 : i32
    %dma_start3A_113 = arith.constant 0 : i32
    %dma_start3A_114 = arith.constant 0 : i32
    %dma_start3A_115 = tpu.memref_slice %arg6[%dma_start3A_112, %dma_start3A_113, %dma_start3A_114] : memref<5x128x128xf32, #tpu.memory_space<vmem>> -> memref<1x128x128xf32, #tpu.memory_space<vmem>>
    %dma_start3A_116 = tpu.memref_squeeze %dma_start3A_115 : memref<1x128x128xf32, #tpu.memory_space<vmem>> -> memref<128x128xf32, #tpu.memory_space<vmem>>
    %dma_start3A_117 = arith.constant 0 : i32
    %dma_start3A_118 = arith.constant 0 : i32
    %dma_start3A_119 = tpu.memref_slice %arg4[%add3A_111, %dma_start3A_117, %dma_start3A_118] : memref<6400x128x128xf32, #tpu.memory_space<hbm>> -> memref<1x128x128xf32, #tpu.memory_space<hbm>>
    %dma_start3A_120 = tpu.memref_squeeze %dma_start3A_119 : memref<1x128x128xf32, #tpu.memory_space<hbm>> -> memref<128x128xf32, #tpu.memory_space<hbm>>
    %dma_start3A_121 = arith.constant 0 : i32
    %dma_start3A_122 = arith.constant 0 : i32
    %dma_start3A_123 = tpu.memref_slice %arg4[%add3A_111, %dma_start3A_121, %dma_start3A_122] : memref<6400x128x128xf32, #tpu.memory_space<hbm>> -> memref<1x128x128xf32, #tpu.memory_space<hbm>>
    %dma_start3A_124 = tpu.memref_squeeze %dma_start3A_123 : memref<1x128x128xf32, #tpu.memory_space<hbm>> -> memref<128x128xf32, #tpu.memory_space<hbm>>
    %dma_start3A_125 = arith.constant 0 : i32
    %dma_start3A_126 = arith.constant 0 : i32
    %dma_start3A_127 = tpu.memref_slice %arg6[%dma_start3A_112, %dma_start3A_125, %dma_start3A_126] : memref<5x128x128xf32, #tpu.memory_space<vmem>> -> memref<1x128x128xf32, #tpu.memory_space<vmem>>
    %dma_start3A_128 = tpu.memref_squeeze %dma_start3A_127 : memref<1x128x128xf32, #tpu.memory_space<vmem>> -> memref<128x128xf32, #tpu.memory_space<vmem>>
    tpu.enqueue_dma source(%dma_start3A_128 : memref<128x128xf32, #tpu.memory_space<vmem>>) target(%dma_start3A_124 : memref<128x128xf32, #tpu.memory_space<hbm>>) target_semaphore(%arg13 : memref<!tpu.dma_semaphore, #tpu.memory_space<semaphore_mem>>)
    %dma_wait3A_129 = arith.constant 197 : i32
    %dma_wait3A_130 = arith.constant 2 : i32
    %dma_wait3A_131 = arith.constant 0 : i32
    %dma_wait3A_132 = arith.constant 0 : i32
    %dma_wait3A_133 = tpu.memref_slice %arg6[%dma_wait3A_130, %dma_wait3A_131, %dma_wait3A_132] : memref<5x128x128xf32, #tpu.memory_space<vmem>> -> memref<1x128x128xf32, #tpu.memory_space<vmem>>
    %dma_wait3A_134 = tpu.memref_squeeze %dma_wait3A_133 : memref<1x128x128xf32, #tpu.memory_space<vmem>> -> memref<128x128xf32, #tpu.memory_space<vmem>>
    %dma_wait3A_135 = arith.constant 0 : i32
    %dma_wait3A_136 = tpu.memref_slice %arg5[%dma_wait3A_129, %dma_wait3A_135] : memref<200x128xi32, #tpu.memory_space<vmem>> -> memref<1x128xi32, #tpu.memory_space<vmem>>
    %dma_wait3A_137 = tpu.memref_squeeze %dma_wait3A_136 : memref<1x128xi32, #tpu.memory_space<vmem>> -> memref<128xi32, #tpu.memory_space<vmem>>
    %dma_wait3A_138 = arith.constant 0 : i32
    %dma_wait3A_139 = arith.constant 0 : i32
    %dma_wait3A_140 = tpu.memref_slice %arg2[%dma_wait3A_138, %dma_wait3A_139] : memref<100000x128xf32, #tpu.memory_space<hbm>> -> memref<100000x128xf32, #tpu.memory_space<hbm>>
    tpu.wait_indirect_dma semaphore(%arg9 : memref<!tpu.dma_semaphore, #tpu.memory_space<semaphore_mem>>) src(%dma_wait3A_140 : memref<100000x128xf32, #tpu.memory_space<hbm>>) dst(%dma_wait3A_134 : memref<128x128xf32, #tpu.memory_space<vmem>>)
    %mul3A_141 = arith.constant 200 : i32
    %mul3A_142 = arith.muli %add3A, %mul3A_141 : i32
    %add3A_143 = arith.constant 197 : i32
    %add3A_144 = arith.addi %mul3A_142, %add3A_143 : i32
    %dma_start3A_145 = arith.constant 2 : i32
    %dma_start3A_146 = arith.constant 0 : i32
    %dma_start3A_147 = arith.constant 0 : i32
    %dma_start3A_148 = tpu.memref_slice %arg6[%dma_start3A_145, %dma_start3A_146, %dma_start3A_147] : memref<5x128x128xf32, #tpu.memory_space<vmem>> -> memref<1x128x128xf32, #tpu.memory_space<vmem>>
    %dma_start3A_149 = tpu.memref_squeeze %dma_start3A_148 : memref<1x128x128xf32, #tpu.memory_space<vmem>> -> memref<128x128xf32, #tpu.memory_space<vmem>>
    %dma_start3A_150 = arith.constant 0 : i32
    %dma_start3A_151 = arith.constant 0 : i32
    %dma_start3A_152 = tpu.memref_slice %arg4[%add3A_144, %dma_start3A_150, %dma_start3A_151] : memref<6400x128x128xf32, #tpu.memory_space<hbm>> -> memref<1x128x128xf32, #tpu.memory_space<hbm>>
    %dma_start3A_153 = tpu.memref_squeeze %dma_start3A_152 : memref<1x128x128xf32, #tpu.memory_space<hbm>> -> memref<128x128xf32, #tpu.memory_space<hbm>>
    %dma_start3A_154 = arith.constant 0 : i32
    %dma_start3A_155 = arith.constant 0 : i32
    %dma_start3A_156 = tpu.memref_slice %arg4[%add3A_144, %dma_start3A_154, %dma_start3A_155] : memref<6400x128x128xf32, #tpu.memory_space<hbm>> -> memref<1x128x128xf32, #tpu.memory_space<hbm>>
    %dma_start3A_157 = tpu.memref_squeeze %dma_start3A_156 : memref<1x128x128xf32, #tpu.memory_space<hbm>> -> memref<128x128xf32, #tpu.memory_space<hbm>>
    %dma_start3A_158 = arith.constant 0 : i32
    %dma_start3A_159 = arith.constant 0 : i32
    %dma_start3A_160 = tpu.memref_slice %arg6[%dma_start3A_145, %dma_start3A_158, %dma_start3A_159] : memref<5x128x128xf32, #tpu.memory_space<vmem>> -> memref<1x128x128xf32, #tpu.memory_space<vmem>>
    %dma_start3A_161 = tpu.memref_squeeze %dma_start3A_160 : memref<1x128x128xf32, #tpu.memory_space<vmem>> -> memref<128x128xf32, #tpu.memory_space<vmem>>
    tpu.enqueue_dma source(%dma_start3A_161 : memref<128x128xf32, #tpu.memory_space<vmem>>) target(%dma_start3A_157 : memref<128x128xf32, #tpu.memory_space<hbm>>) target_semaphore(%arg14 : memref<!tpu.dma_semaphore, #tpu.memory_space<semaphore_mem>>)
    %dma_wait3A_162 = arith.constant 198 : i32
    %dma_wait3A_163 = arith.constant 3 : i32
    %dma_wait3A_164 = arith.constant 0 : i32
    %dma_wait3A_165 = arith.constant 0 : i32
    %dma_wait3A_166 = tpu.memref_slice %arg6[%dma_wait3A_163, %dma_wait3A_164, %dma_wait3A_165] : memref<5x128x128xf32, #tpu.memory_space<vmem>> -> memref<1x128x128xf32, #tpu.memory_space<vmem>>
    %dma_wait3A_167 = tpu.memref_squeeze %dma_wait3A_166 : memref<1x128x128xf32, #tpu.memory_space<vmem>> -> memref<128x128xf32, #tpu.memory_space<vmem>>
    %dma_wait3A_168 = arith.constant 0 : i32
    %dma_wait3A_169 = tpu.memref_slice %arg5[%dma_wait3A_162, %dma_wait3A_168] : memref<200x128xi32, #tpu.memory_space<vmem>> -> memref<1x128xi32, #tpu.memory_space<vmem>>
    %dma_wait3A_170 = tpu.memref_squeeze %dma_wait3A_169 : memref<1x128xi32, #tpu.memory_space<vmem>> -> memref<128xi32, #tpu.memory_space<vmem>>
    %dma_wait3A_171 = arith.constant 0 : i32
    %dma_wait3A_172 = arith.constant 0 : i32
    %dma_wait3A_173 = tpu.memref_slice %arg2[%dma_wait3A_171, %dma_wait3A_172] : memref<100000x128xf32, #tpu.memory_space<hbm>> -> memref<100000x128xf32, #tpu.memory_space<hbm>>
    tpu.wait_indirect_dma semaphore(%arg10 : memref<!tpu.dma_semaphore, #tpu.memory_space<semaphore_mem>>) src(%dma_wait3A_173 : memref<100000x128xf32, #tpu.memory_space<hbm>>) dst(%dma_wait3A_167 : memref<128x128xf32, #tpu.memory_space<vmem>>)
    %mul3A_174 = arith.constant 200 : i32
    %mul3A_175 = arith.muli %add3A, %mul3A_174 : i32
    %add3A_176 = arith.constant 198 : i32
    %add3A_177 = arith.addi %mul3A_175, %add3A_176 : i32
    %dma_start3A_178 = arith.constant 3 : i32
    %dma_start3A_179 = arith.constant 0 : i32
    %dma_start3A_180 = arith.constant 0 : i32
    %dma_start3A_181 = tpu.memref_slice %arg6[%dma_start3A_178, %dma_start3A_179, %dma_start3A_180] : memref<5x128x128xf32, #tpu.memory_space<vmem>> -> memref<1x128x128xf32, #tpu.memory_space<vmem>>
    %dma_start3A_182 = tpu.memref_squeeze %dma_start3A_181 : memref<1x128x128xf32, #tpu.memory_space<vmem>> -> memref<128x128xf32, #tpu.memory_space<vmem>>
    %dma_start3A_183 = arith.constant 0 : i32
    %dma_start3A_184 = arith.constant 0 : i32
    %dma_start3A_185 = tpu.memref_slice %arg4[%add3A_177, %dma_start3A_183, %dma_start3A_184] : memref<6400x128x128xf32, #tpu.memory_space<hbm>> -> memref<1x128x128xf32, #tpu.memory_space<hbm>>
    %dma_start3A_186 = tpu.memref_squeeze %dma_start3A_185 : memref<1x128x128xf32, #tpu.memory_space<hbm>> -> memref<128x128xf32, #tpu.memory_space<hbm>>
    %dma_start3A_187 = arith.constant 0 : i32
    %dma_start3A_188 = arith.constant 0 : i32
    %dma_start3A_189 = tpu.memref_slice %arg4[%add3A_177, %dma_start3A_187, %dma_start3A_188] : memref<6400x128x128xf32, #tpu.memory_space<hbm>> -> memref<1x128x128xf32, #tpu.memory_space<hbm>>
    %dma_start3A_190 = tpu.memref_squeeze %dma_start3A_189 : memref<1x128x128xf32, #tpu.memory_space<hbm>> -> memref<128x128xf32, #tpu.memory_space<hbm>>
    %dma_start3A_191 = arith.constant 0 : i32
    %dma_start3A_192 = arith.constant 0 : i32
    %dma_start3A_193 = tpu.memref_slice %arg6[%dma_start3A_178, %dma_start3A_191, %dma_start3A_192] : memref<5x128x128xf32, #tpu.memory_space<vmem>> -> memref<1x128x128xf32, #tpu.memory_space<vmem>>
    %dma_start3A_194 = tpu.memref_squeeze %dma_start3A_193 : memref<1x128x128xf32, #tpu.memory_space<vmem>> -> memref<128x128xf32, #tpu.memory_space<vmem>>
    tpu.enqueue_dma source(%dma_start3A_194 : memref<128x128xf32, #tpu.memory_space<vmem>>) target(%dma_start3A_190 : memref<128x128xf32, #tpu.memory_space<hbm>>) target_semaphore(%arg15 : memref<!tpu.dma_semaphore, #tpu.memory_space<semaphore_mem>>)
    %dma_wait3A_195 = arith.constant 199 : i32
    %dma_wait3A_196 = arith.constant 4 : i32
    %dma_wait3A_197 = arith.constant 0 : i32
    %dma_wait3A_198 = arith.constant 0 : i32
    %dma_wait3A_199 = tpu.memref_slice %arg6[%dma_wait3A_196, %dma_wait3A_197, %dma_wait3A_198] : memref<5x128x128xf32, #tpu.memory_space<vmem>> -> memref<1x128x128xf32, #tpu.memory_space<vmem>>
    %dma_wait3A_200 = tpu.memref_squeeze %dma_wait3A_199 : memref<1x128x128xf32, #tpu.memory_space<vmem>> -> memref<128x128xf32, #tpu.memory_space<vmem>>
    %dma_wait3A_201 = arith.constant 0 : i32
    %dma_wait3A_202 = tpu.memref_slice %arg5[%dma_wait3A_195, %dma_wait3A_201] : memref<200x128xi32, #tpu.memory_space<vmem>> -> memref<1x128xi32, #tpu.memory_space<vmem>>
    %dma_wait3A_203 = tpu.memref_squeeze %dma_wait3A_202 : memref<1x128xi32, #tpu.memory_space<vmem>> -> memref<128xi32, #tpu.memory_space<vmem>>
    %dma_wait3A_204 = arith.constant 0 : i32
    %dma_wait3A_205 = arith.constant 0 : i32
    %dma_wait3A_206 = tpu.memref_slice %arg2[%dma_wait3A_204, %dma_wait3A_205] : memref<100000x128xf32, #tpu.memory_space<hbm>> -> memref<100000x128xf32, #tpu.memory_space<hbm>>
    tpu.wait_indirect_dma semaphore(%arg11 : memref<!tpu.dma_semaphore, #tpu.memory_space<semaphore_mem>>) src(%dma_wait3A_206 : memref<100000x128xf32, #tpu.memory_space<hbm>>) dst(%dma_wait3A_200 : memref<128x128xf32, #tpu.memory_space<vmem>>)
    %mul3A_207 = arith.constant 200 : i32
    %mul3A_208 = arith.muli %add3A, %mul3A_207 : i32
    %add3A_209 = arith.constant 199 : i32
    %add3A_210 = arith.addi %mul3A_208, %add3A_209 : i32
    %dma_start3A_211 = arith.constant 4 : i32
    %dma_start3A_212 = arith.constant 0 : i32
    %dma_start3A_213 = arith.constant 0 : i32
    %dma_start3A_214 = tpu.memref_slice %arg6[%dma_start3A_211, %dma_start3A_212, %dma_start3A_213] : memref<5x128x128xf32, #tpu.memory_space<vmem>> -> memref<1x128x128xf32, #tpu.memory_space<vmem>>
    %dma_start3A_215 = tpu.memref_squeeze %dma_start3A_214 : memref<1x128x128xf32, #tpu.memory_space<vmem>> -> memref<128x128xf32, #tpu.memory_space<vmem>>
    %dma_start3A_216 = arith.constant 0 : i32
    %dma_start3A_217 = arith.constant 0 : i32
    %dma_start3A_218 = tpu.memref_slice %arg4[%add3A_210, %dma_start3A_216, %dma_start3A_217] : memref<6400x128x128xf32, #tpu.memory_space<hbm>> -> memref<1x128x128xf32, #tpu.memory_space<hbm>>
    %dma_start3A_219 = tpu.memref_squeeze %dma_start3A_218 : memref<1x128x128xf32, #tpu.memory_space<hbm>> -> memref<128x128xf32, #tpu.memory_space<hbm>>
    %dma_start3A_220 = arith.constant 0 : i32
    %dma_start3A_221 = arith.constant 0 : i32
    %dma_start3A_222 = tpu.memref_slice %arg4[%add3A_210, %dma_start3A_220, %dma_start3A_221] : memref<6400x128x128xf32, #tpu.memory_space<hbm>> -> memref<1x128x128xf32, #tpu.memory_space<hbm>>
    %dma_start3A_223 = tpu.memref_squeeze %dma_start3A_222 : memref<1x128x128xf32, #tpu.memory_space<hbm>> -> memref<128x128xf32, #tpu.memory_space<hbm>>
    %dma_start3A_224 = arith.constant 0 : i32
    %dma_start3A_225 = arith.constant 0 : i32
    %dma_start3A_226 = tpu.memref_slice %arg6[%dma_start3A_211, %dma_start3A_224, %dma_start3A_225] : memref<5x128x128xf32, #tpu.memory_space<vmem>> -> memref<1x128x128xf32, #tpu.memory_space<vmem>>
    %dma_start3A_227 = tpu.memref_squeeze %dma_start3A_226 : memref<1x128x128xf32, #tpu.memory_space<vmem>> -> memref<128x128xf32, #tpu.memory_space<vmem>>
    tpu.enqueue_dma source(%dma_start3A_227 : memref<128x128xf32, #tpu.memory_space<vmem>>) target(%dma_start3A_223 : memref<128x128xf32, #tpu.memory_space<hbm>>) target_semaphore(%arg16 : memref<!tpu.dma_semaphore, #tpu.memory_space<semaphore_mem>>)
    %mul3A_228 = arith.constant 200 : i32
    %mul3A_229 = arith.muli %add3A, %mul3A_228 : i32
    %add3A_230 = arith.constant 195 : i32
    %add3A_231 = arith.addi %mul3A_229, %add3A_230 : i32
    %dma_wait3A_232 = arith.constant 0 : i32
    %dma_wait3A_233 = arith.constant 0 : i32
    %dma_wait3A_234 = arith.constant 0 : i32
    %dma_wait3A_235 = tpu.memref_slice %arg6[%dma_wait3A_232, %dma_wait3A_233, %dma_wait3A_234] : memref<5x128x128xf32, #tpu.memory_space<vmem>> -> memref<1x128x128xf32, #tpu.memory_space<vmem>>
    %dma_wait3A_236 = tpu.memref_squeeze %dma_wait3A_235 : memref<1x128x128xf32, #tpu.memory_space<vmem>> -> memref<128x128xf32, #tpu.memory_space<vmem>>
    %dma_wait3A_237 = arith.constant 0 : i32
    %dma_wait3A_238 = arith.constant 0 : i32
    %dma_wait3A_239 = tpu.memref_slice %arg4[%add3A_231, %dma_wait3A_237, %dma_wait3A_238] : memref<6400x128x128xf32, #tpu.memory_space<hbm>> -> memref<1x128x128xf32, #tpu.memory_space<hbm>>
    %dma_wait3A_240 = tpu.memref_squeeze %dma_wait3A_239 : memref<1x128x128xf32, #tpu.memory_space<hbm>> -> memref<128x128xf32, #tpu.memory_space<hbm>>
    %dma_wait3A_241 = arith.constant 0 : i32
    %dma_wait3A_242 = arith.constant 0 : i32
    %dma_wait3A_243 = tpu.memref_slice %arg4[%add3A_231, %dma_wait3A_241, %dma_wait3A_242] : memref<6400x128x128xf32, #tpu.memory_space<hbm>> -> memref<1x128x128xf32, #tpu.memory_space<hbm>>
    %dma_wait3A_244 = tpu.memref_squeeze %dma_wait3A_243 : memref<1x128x128xf32, #tpu.memory_space<hbm>> -> memref<128x128xf32, #tpu.memory_space<hbm>>
    %dma_wait3A_245 = arith.constant 0 : i32
    %dma_wait3A_246 = arith.constant 0 : i32
    %dma_wait3A_247 = tpu.memref_slice %arg6[%dma_wait3A_232, %dma_wait3A_245, %dma_wait3A_246] : memref<5x128x128xf32, #tpu.memory_space<vmem>> -> memref<1x128x128xf32, #tpu.memory_space<vmem>>
    %dma_wait3A_248 = tpu.memref_squeeze %dma_wait3A_247 : memref<1x128x128xf32, #tpu.memory_space<vmem>> -> memref<128x128xf32, #tpu.memory_space<vmem>>
    tpu.wait_dma2 semaphore(%arg12 : memref<!tpu.dma_semaphore, #tpu.memory_space<semaphore_mem>>) src(%dma_wait3A_248 : memref<128x128xf32, #tpu.memory_space<vmem>>) dst(%dma_wait3A_244 : memref<128x128xf32, #tpu.memory_space<hbm>>)
    %mul3A_249 = arith.constant 200 : i32
    %mul3A_250 = arith.muli %add3A, %mul3A_249 : i32
    %add3A_251 = arith.constant 196 : i32
    %add3A_252 = arith.addi %mul3A_250, %add3A_251 : i32
    %dma_wait3A_253 = arith.constant 1 : i32
    %dma_wait3A_254 = arith.constant 0 : i32
    %dma_wait3A_255 = arith.constant 0 : i32
    %dma_wait3A_256 = tpu.memref_slice %arg6[%dma_wait3A_253, %dma_wait3A_254, %dma_wait3A_255] : memref<5x128x128xf32, #tpu.memory_space<vmem>> -> memref<1x128x128xf32, #tpu.memory_space<vmem>>
    %dma_wait3A_257 = tpu.memref_squeeze %dma_wait3A_256 : memref<1x128x128xf32, #tpu.memory_space<vmem>> -> memref<128x128xf32, #tpu.memory_space<vmem>>
    %dma_wait3A_258 = arith.constant 0 : i32
    %dma_wait3A_259 = arith.constant 0 : i32
    %dma_wait3A_260 = tpu.memref_slice %arg4[%add3A_252, %dma_wait3A_258, %dma_wait3A_259] : memref<6400x128x128xf32, #tpu.memory_space<hbm>> -> memref<1x128x128xf32, #tpu.memory_space<hbm>>
    %dma_wait3A_261 = tpu.memref_squeeze %dma_wait3A_260 : memref<1x128x128xf32, #tpu.memory_space<hbm>> -> memref<128x128xf32, #tpu.memory_space<hbm>>
    %dma_wait3A_262 = arith.constant 0 : i32
    %dma_wait3A_263 = arith.constant 0 : i32
    %dma_wait3A_264 = tpu.memref_slice %arg4[%add3A_252, %dma_wait3A_262, %dma_wait3A_263] : memref<6400x128x128xf32, #tpu.memory_space<hbm>> -> memref<1x128x128xf32, #tpu.memory_space<hbm>>
    %dma_wait3A_265 = tpu.memref_squeeze %dma_wait3A_264 : memref<1x128x128xf32, #tpu.memory_space<hbm>> -> memref<128x128xf32, #tpu.memory_space<hbm>>
    %dma_wait3A_266 = arith.constant 0 : i32
    %dma_wait3A_267 = arith.constant 0 : i32
    %dma_wait3A_268 = tpu.memref_slice %arg6[%dma_wait3A_253, %dma_wait3A_266, %dma_wait3A_267] : memref<5x128x128xf32, #tpu.memory_space<vmem>> -> memref<1x128x128xf32, #tpu.memory_space<vmem>>
    %dma_wait3A_269 = tpu.memref_squeeze %dma_wait3A_268 : memref<1x128x128xf32, #tpu.memory_space<vmem>> -> memref<128x128xf32, #tpu.memory_space<vmem>>
    tpu.wait_dma2 semaphore(%arg13 : memref<!tpu.dma_semaphore, #tpu.memory_space<semaphore_mem>>) src(%dma_wait3A_269 : memref<128x128xf32, #tpu.memory_space<vmem>>) dst(%dma_wait3A_265 : memref<128x128xf32, #tpu.memory_space<hbm>>)
    %mul3A_270 = arith.constant 200 : i32
    %mul3A_271 = arith.muli %add3A, %mul3A_270 : i32
    %add3A_272 = arith.constant 197 : i32
    %add3A_273 = arith.addi %mul3A_271, %add3A_272 : i32
    %dma_wait3A_274 = arith.constant 2 : i32
    %dma_wait3A_275 = arith.constant 0 : i32
    %dma_wait3A_276 = arith.constant 0 : i32
    %dma_wait3A_277 = tpu.memref_slice %arg6[%dma_wait3A_274, %dma_wait3A_275, %dma_wait3A_276] : memref<5x128x128xf32, #tpu.memory_space<vmem>> -> memref<1x128x128xf32, #tpu.memory_space<vmem>>
    %dma_wait3A_278 = tpu.memref_squeeze %dma_wait3A_277 : memref<1x128x128xf32, #tpu.memory_space<vmem>> -> memref<128x128xf32, #tpu.memory_space<vmem>>
    %dma_wait3A_279 = arith.constant 0 : i32
    %dma_wait3A_280 = arith.constant 0 : i32
    %dma_wait3A_281 = tpu.memref_slice %arg4[%add3A_273, %dma_wait3A_279, %dma_wait3A_280] : memref<6400x128x128xf32, #tpu.memory_space<hbm>> -> memref<1x128x128xf32, #tpu.memory_space<hbm>>
    %dma_wait3A_282 = tpu.memref_squeeze %dma_wait3A_281 : memref<1x128x128xf32, #tpu.memory_space<hbm>> -> memref<128x128xf32, #tpu.memory_space<hbm>>
    %dma_wait3A_283 = arith.constant 0 : i32
    %dma_wait3A_284 = arith.constant 0 : i32
    %dma_wait3A_285 = tpu.memref_slice %arg4[%add3A_273, %dma_wait3A_283, %dma_wait3A_284] : memref<6400x128x128xf32, #tpu.memory_space<hbm>> -> memref<1x128x128xf32, #tpu.memory_space<hbm>>
    %dma_wait3A_286 = tpu.memref_squeeze %dma_wait3A_285 : memref<1x128x128xf32, #tpu.memory_space<hbm>> -> memref<128x128xf32, #tpu.memory_space<hbm>>
    %dma_wait3A_287 = arith.constant 0 : i32
    %dma_wait3A_288 = arith.constant 0 : i32
    %dma_wait3A_289 = tpu.memref_slice %arg6[%dma_wait3A_274, %dma_wait3A_287, %dma_wait3A_288] : memref<5x128x128xf32, #tpu.memory_space<vmem>> -> memref<1x128x128xf32, #tpu.memory_space<vmem>>
    %dma_wait3A_290 = tpu.memref_squeeze %dma_wait3A_289 : memref<1x128x128xf32, #tpu.memory_space<vmem>> -> memref<128x128xf32, #tpu.memory_space<vmem>>
    tpu.wait_dma2 semaphore(%arg14 : memref<!tpu.dma_semaphore, #tpu.memory_space<semaphore_mem>>) src(%dma_wait3A_290 : memref<128x128xf32, #tpu.memory_space<vmem>>) dst(%dma_wait3A_286 : memref<128x128xf32, #tpu.memory_space<hbm>>)
    %mul3A_291 = arith.constant 200 : i32
    %mul3A_292 = arith.muli %add3A, %mul3A_291 : i32
    %add3A_293 = arith.constant 198 : i32
    %add3A_294 = arith.addi %mul3A_292, %add3A_293 : i32
    %dma_wait3A_295 = arith.constant 3 : i32
    %dma_wait3A_296 = arith.constant 0 : i32
    %dma_wait3A_297 = arith.constant 0 : i32
    %dma_wait3A_298 = tpu.memref_slice %arg6[%dma_wait3A_295, %dma_wait3A_296, %dma_wait3A_297] : memref<5x128x128xf32, #tpu.memory_space<vmem>> -> memref<1x128x128xf32, #tpu.memory_space<vmem>>
    %dma_wait3A_299 = tpu.memref_squeeze %dma_wait3A_298 : memref<1x128x128xf32, #tpu.memory_space<vmem>> -> memref<128x128xf32, #tpu.memory_space<vmem>>
    %dma_wait3A_300 = arith.constant 0 : i32
    %dma_wait3A_301 = arith.constant 0 : i32
    %dma_wait3A_302 = tpu.memref_slice %arg4[%add3A_294, %dma_wait3A_300, %dma_wait3A_301] : memref<6400x128x128xf32, #tpu.memory_space<hbm>> -> memref<1x128x128xf32, #tpu.memory_space<hbm>>
    %dma_wait3A_303 = tpu.memref_squeeze %dma_wait3A_302 : memref<1x128x128xf32, #tpu.memory_space<hbm>> -> memref<128x128xf32, #tpu.memory_space<hbm>>
    %dma_wait3A_304 = arith.constant 0 : i32
    %dma_wait3A_305 = arith.constant 0 : i32
    %dma_wait3A_306 = tpu.memref_slice %arg4[%add3A_294, %dma_wait3A_304, %dma_wait3A_305] : memref<6400x128x128xf32, #tpu.memory_space<hbm>> -> memref<1x128x128xf32, #tpu.memory_space<hbm>>
    %dma_wait3A_307 = tpu.memref_squeeze %dma_wait3A_306 : memref<1x128x128xf32, #tpu.memory_space<hbm>> -> memref<128x128xf32, #tpu.memory_space<hbm>>
    %dma_wait3A_308 = arith.constant 0 : i32
    %dma_wait3A_309 = arith.constant 0 : i32
    %dma_wait3A_310 = tpu.memref_slice %arg6[%dma_wait3A_295, %dma_wait3A_308, %dma_wait3A_309] : memref<5x128x128xf32, #tpu.memory_space<vmem>> -> memref<1x128x128xf32, #tpu.memory_space<vmem>>
    %dma_wait3A_311 = tpu.memref_squeeze %dma_wait3A_310 : memref<1x128x128xf32, #tpu.memory_space<vmem>> -> memref<128x128xf32, #tpu.memory_space<vmem>>
    tpu.wait_dma2 semaphore(%arg15 : memref<!tpu.dma_semaphore, #tpu.memory_space<semaphore_mem>>) src(%dma_wait3A_311 : memref<128x128xf32, #tpu.memory_space<vmem>>) dst(%dma_wait3A_307 : memref<128x128xf32, #tpu.memory_space<hbm>>)
    %mul3A_312 = arith.constant 200 : i32
    %mul3A_313 = arith.muli %add3A, %mul3A_312 : i32
    %add3A_314 = arith.constant 199 : i32
    %add3A_315 = arith.addi %mul3A_313, %add3A_314 : i32
    %dma_wait3A_316 = arith.constant 4 : i32
    %dma_wait3A_317 = arith.constant 0 : i32
    %dma_wait3A_318 = arith.constant 0 : i32
    %dma_wait3A_319 = tpu.memref_slice %arg6[%dma_wait3A_316, %dma_wait3A_317, %dma_wait3A_318] : memref<5x128x128xf32, #tpu.memory_space<vmem>> -> memref<1x128x128xf32, #tpu.memory_space<vmem>>
    %dma_wait3A_320 = tpu.memref_squeeze %dma_wait3A_319 : memref<1x128x128xf32, #tpu.memory_space<vmem>> -> memref<128x128xf32, #tpu.memory_space<vmem>>
    %dma_wait3A_321 = arith.constant 0 : i32
    %dma_wait3A_322 = arith.constant 0 : i32
    %dma_wait3A_323 = tpu.memref_slice %arg4[%add3A_315, %dma_wait3A_321, %dma_wait3A_322] : memref<6400x128x128xf32, #tpu.memory_space<hbm>> -> memref<1x128x128xf32, #tpu.memory_space<hbm>>
    %dma_wait3A_324 = tpu.memref_squeeze %dma_wait3A_323 : memref<1x128x128xf32, #tpu.memory_space<hbm>> -> memref<128x128xf32, #tpu.memory_space<hbm>>
    %dma_wait3A_325 = arith.constant 0 : i32
    %dma_wait3A_326 = arith.constant 0 : i32
    %dma_wait3A_327 = tpu.memref_slice %arg4[%add3A_315, %dma_wait3A_325, %dma_wait3A_326] : memref<6400x128x128xf32, #tpu.memory_space<hbm>> -> memref<1x128x128xf32, #tpu.memory_space<hbm>>
    %dma_wait3A_328 = tpu.memref_squeeze %dma_wait3A_327 : memref<1x128x128xf32, #tpu.memory_space<hbm>> -> memref<128x128xf32, #tpu.memory_space<hbm>>
    %dma_wait3A_329 = arith.constant 0 : i32
    %dma_wait3A_330 = arith.constant 0 : i32
    %dma_wait3A_331 = tpu.memref_slice %arg6[%dma_wait3A_316, %dma_wait3A_329, %dma_wait3A_330] : memref<5x128x128xf32, #tpu.memory_space<vmem>> -> memref<1x128x128xf32, #tpu.memory_space<vmem>>
    %dma_wait3A_332 = tpu.memref_squeeze %dma_wait3A_331 : memref<1x128x128xf32, #tpu.memory_space<vmem>> -> memref<128x128xf32, #tpu.memory_space<vmem>>
    tpu.wait_dma2 semaphore(%arg16 : memref<!tpu.dma_semaphore, #tpu.memory_space<semaphore_mem>>) src(%dma_wait3A_332 : memref<128x128xf32, #tpu.memory_space<vmem>>) dst(%dma_wait3A_328 : memref<128x128xf32, #tpu.memory_space<hbm>>)
    return
  }
}

</mosaic_0001>

<sc_bundles>
// kernel: kernel.3.cloned.1.call-start
scs
__scs_entry_jumppad:
0x0: {  	(pc) =	sbr.rel $0x88, $3  }
0x1: {  	(tag) =	ssettag $0x0;
	lr =	simm.s32 $0x1  }
0x2: {  	[smem:$0x3F9F] =	sst lr;
	_ =	strace $0xD0000000  }
0x3: {  	_ = 	snop  }
0x4: {  	_ = 	snop  }
0x5: {  	_ = 	snop  }
0x6: {  	_ = 	snop  }
0x7: {  	_ = 	snop  }
__scs_overlays_trampoline_lowered:
0x8: {  	[smem:$0x3FAE] =	sst s0  }
0x9: {  	[smem:$0x3FAF] =	sst s1  }
0xa: {  	[smem:$0x3FB0] =	sst s2  }
0xb: {  	[smem:$0x3FB1] =	sst s3  }
0xc: {  	[smem:$0x3FB2] =	sst s4  }
0xd: {  	[smem:$0x3FB3] =	sst s5  }
0xe: {  	[smem:$0x3FB4] =	sst s6  }
0xf: {  	[smem:$0x3FB5] =	sst s7  }
0x10: {  	[smem:$0x3FB6] =	sst s8  }
0x11: {  	[smem:$0x3FB7] =	sst s9;
	s0 =	simm.s32 @!p0 $0x0  }
0x12: {  	s1 =	sld [smem:$0x3F9D];
	s0 =	simm.s32 @p0 $0x1  }
0x13: {  	[smem:$0x3FB8] =	sst s0;
	s0 =	simm.s32 @!p1 $0x0  }
0x14: {  	s2 =	sld [smem:$0x3F9C];
	s0 =	simm.s32 @p1 $0x1  }
0x15: {  	[smem:$0x3FB9] =	sst s0;
	s0 =	simm.s32 @!p2 $0x0  }
0x16: {  	s3 =	sld [smem:$0x3FDB];
	s0 =	simm.s32 @p2 $0x1  }
0x17: {  	s4 =	simm.s32 $0x1BF5;
	[smem:$0x3FBB] =	sst s0  }
0x18: {  	s0 =	sld [smem:$0x3F9E];
	_ =	swait.ge [sflag:s4], $0x0  }
0x19: {  	s7 =	sld [smem:$0x3F9F]  }
0x1a: {  	s8 =	sadd.s32 $0xFFFFE003, lr  }
0x1b: {  	s9 =	sadd.s32 $0xFFFFFEF7, lr;
	s5 =	simm.s32 $0xFFFFFFFF;
	p2 =	slt.u32 s8, $0xFFFFF086  }
0x1c: {  	p1 =	slt.u32 s9, $0xF7A;
	s5 =	simm.s32 @!p2 $0x0  }
0x1d: {  	s5 =	simm.s32 @p1 $0x1;
	p0 =	seq.s32 s7, s2  }
0x1e: {  	s7 =	smul.u32 @!p0 $0xF7A, s2;
	p2 =	seq.s32 @!p0 s5, $0x0  }
0x1f: {  	s9 =	smul.u32 $0xF7A, s1;
	s8 =	simm.s32 @!p0 $0x1BF5;
	p2 =	por !p2, p0  }
0x20: {  	[sflag:s8] =	ssyncset.s32 @!p0 $0xFFFFF086;
	s6 =	sadd.s32 @!p0 s3, s7;
	s7 =	simm.s32 @!p0 $0x108  }
0x21: {  	s3 =	sadd.s32 s3, s9;
	s6 =	sadd.s32 @!p0 $0x88, s6;
	s7 =	simm.s32 @p2 $0x1082  }
0x22: {  	[simem:s7], [sflag:s8] =	dma.local @!p0 [hbm:s6], $0xF7A  }
0x23: {  	s9 =	sor.u32 $0xD0000000, s2;
	s6 =	simm.s32 $0x108;
	_ =	swait.ge @!p0 [sflag:s8], $0x0  }
0x24: {  	s3 =	sadd.s32 $0x88, s3;
	s6 =	simm.s32 @!p1 $0x1082;
	[sflag:s4] =	ssyncset.s32 $0xFFFFF086  }
0x25: {  	[simem:s6], [sflag:s4] =	dma.local [hbm:s3], $0xF7A  }
0x26: {  	[smem:$0x3F9F] =	sst s1;
	(tag) =	ssettag s2;
	_ =	strace s9  }
0x27: {  	s1 =	sld [smem:$0x3FAF]  }
0x28: {  	s2 =	sld [smem:$0x3FB0]  }
0x29: {  	s4 =	sld [smem:$0x3FB2]  }
0x2a: {  	p0 =	seq.s32 s5, $0x0;
	s5 =	sld [smem:$0x3FB3]  }
0x2b: {  	s6 =	sld [smem:$0x3FB4]  }
0x2c: {  	s7 =	sld [smem:$0x3FB5]  }
0x2d: {  	s3 =	simm.s32 $0x108;
	s8 =	sld [smem:$0x3FB6]  }
0x2e: {  	s3 =	simm.s32 @!p0 $0x1082;
	s9 =	sld [smem:$0x3FB7]  }
0x2f: {  	lr =	sadd.s32 s0, s3;
	s0 =	sld [smem:$0x3FAE]  }
0x30: {  	s3 =	sld [smem:$0x3FB1]  }
0x31: {  	[smem:$0x3FBA] =	sst s10  }
0x32: {  	s10 =	sld [smem:$0x3FB8];
	_ =	sdelay $0x3  }
0x33: {  	p0 =	seq.s32 s10, $0x1;
	s10 =	sld [smem:$0x3FBA];
	_ =	sdelay $0x3  }
0x34: {  	[smem:$0x3FBA] =	sst s10  }
0x35: {  	s10 =	sld [smem:$0x3FB9];
	_ =	sdelay $0x3  }
0x36: {  	p1 =	seq.s32 s10, $0x1;
	s10 =	sld [smem:$0x3FBA];
	_ =	sdelay $0x3  }
0x37: {  	[smem:$0x3FBA] =	sst s10  }
0x38: {  	s10 =	sld [smem:$0x3FBB]  }
0x39: {  	_ = 	snop;
	(pc) =	sbr.ind lr, $3  }
0x3a: {  	_ = 	snop  }
0x3b: {  	_ = 	snop  }
0x3c: {  	p2 =	seq.s32 s10, $0x1;
	s10 =	sld [smem:$0x3FBA]  }
0x3d: {  	_ =	shalt  }
0x3e: {  	_ =	shalt  }
0x3f: {  	_ =	shalt  }
0x40: {  	_ =	shalt  }
0x41: {  	_ =	shalt  }
0x42: {  	_ =	shalt  }
0x43: {  	_ =	shalt  }
0x44: {  	_ =	shalt  }
0x45: {  	_ =	shalt  }
0x46: {  	_ =	shalt  }
0x47: {  	_ =	shalt  }
0x48: {  	_ =	shalt  }
0x49: {  	_ =	shalt  }
0x4a: {  	_ =	shalt  }
0x4b: {  	_ =	shalt  }
0x4c: {  	_ =	shalt  }
0x4d: {  	_ =	shalt  }
0x4e: {  	_ =	shalt  }
0x4f: {  	_ =	shalt  }
0x50: {  	_ =	shalt  }
0x51: {  	_ =	shalt  }
0x52: {  	_ =	shalt  }
0x53: {  	_ =	shalt  }
0x54: {  	_ =	shalt  }
0x55: {  	_ =	shalt  }
0x56: {  	_ =	shalt  }
0x57: {  	_ =	shalt  }
0x58: {  	_ =	shalt  }
0x59: {  	_ =	shalt  }
0x5a: {  	_ =	shalt  }
0x5b: {  	_ =	shalt  }
0x5c: {  	_ =	shalt  }
0x5d: {  	_ =	shalt  }
0x5e: {  	_ =	shalt  }
0x5f: {  	_ =	shalt  }
0x60: {  	_ =	shalt  }
0x61: {  	_ =	shalt  }
0x62: {  	_ =	shalt  }
0x63: {  	_ =	shalt  }
0x64: {  	_ =	shalt  }
0x65: {  	_ =	shalt  }
0x66: {  	_ =	shalt  }
0x67: {  	_ =	shalt  }
0x68: {  	_ =	shalt  }
0x69: {  	_ =	shalt  }
0x6a: {  	_ =	shalt  }
0x6b: {  	_ =	shalt  }
0x6c: {  	_ =	shalt  }
0x6d: {  	_ =	shalt  }
0x6e: {  	_ =	shalt  }
0x6f: {  	_ =	shalt  }
0x70: {  	_ =	shalt  }
0x71: {  	_ =	shalt  }
0x72: {  	_ =	shalt  }
0x73: {  	_ =	shalt  }
0x74: {  	_ =	shalt  }
0x75: {  	_ =	shalt  }
0x76: {  	_ =	shalt  }
0x77: {  	_ =	shalt  }
0x78: {  	_ =	shalt  }
0x79: {  	_ =	shalt  }
0x7a: {  	_ =	shalt  }
0x7b: {  	_ =	shalt  }
0x7c: {  	_ =	shalt  }
0x7d: {  	_ =	shalt  }
0x7e: {  	_ =	shalt  }
0x7f: {  	_ =	shalt  }
0x80: {  	_ =	shalt  }
0x81: {  	_ =	shalt  }
0x82: {  	_ =	shalt  }
0x83: {  	_ =	shalt  }
0x84: {  	_ =	shalt  }
0x85: {  	_ =	shalt  }
0x86: {  	_ =	shalt  }
0x87: {  	_ =	shalt  }
.Lfunc_end0:
.L_simem_size_0:
called_computation_lowered:
.L_overlay_start_0:
0x88: {  	s2 =	sld [smem:$0x3FD9]  }
0x89: {  	s3 =	sld [smem:$0x3FFE];
	_ =	sdelay $0x1  }
0x8a: {  	s1 =	srdreg.scid  }
0x8b: {  	s0 =	sand.u32 $0x1, s1  }
0x8c: {  	s17 =	sshll.u32 s0, $0xA;
	s2 =	sadd.s32 s3, s2  }
0x8d: {  	s2 =	sadd.s32 s2, s17  }
0x8e: {  	[smem:$0x3FC6] =	sst s2  }
0x8f: {  	_ = 	snop  }
0x90: {  	s2 =	sld [smem:$0x3FC8]  }
0x91: {  	s18 =	sld [smem:$0x3FD0];
	(tm) =	ssettm $0x1  }
0x92: {  	s4 =	sld [smem:$0x3FFB];
	_ =	sdelay $0x3  }
0x93: {  	_ =	strace s4  }
0x94: {  	s4 =	sld [smem:$0x3FFC];
	_ =	sdelay $0x3  }
0x95: {  	_ =	strace s4  }
0x96: {  	s4 =	sld [smem:$0x3FFD];
	_ =	sdelay $0x3  }
0x97: {  	_ =	strace s4  }
0x98: {  	_ =	strace $0x8FFFFFFF  }
0x99: {  	s19 =	sld [smem:$0x3FDB];
	_ =	sdelay $0x1  }
0x9a: {  	s5 =	simm.s32 $_scs_section_size  }
0x9b: {  	s6 =	simm.s32 $_size__tile_overlayer_lowered;
	s7 =	simm.s32 $_tile_overlayer_lowered  }
0x9c: {  	s22 =	simm.s32 $0x1BFF;
	s21 =	sshll.u32 s7, $0x1;
	s4 =	sadd.s32 s5, s19  }
0x9d: {  	s8 =	simm.s32 $0x0;
	s20 =	sshll.u32 s6, $0x1;
	s6 =	sadd.s32 s21, s4  }
0x9e: {  	[timem:s8], [sflag:s22] =	dma.local [hbm:s6], s20  }
0x9f: {  	_ =	swait.ge [sflag:s22], s20  }
0xa0: {  	s5 =	ssub.s32 $0x0, s20;
	[sflag:s22] =	ssyncset.done $0x0  }
0xa1: {  	[sflag:s22] =	ssyncadd.s32 s5;
	_ =	sdelay $0x1  }
0xa2: {  	s23 =	simm.s32 $0x1B8B  }
0xa3: {  	_ =	swait.ge [sflag:s23], $0x1  }
0xa4: {  	[sflag:s23] =	ssyncset.done $0x0  }
0xa5: {  	s25 =	simm.s32 $0x1B8E;
	s24 =	sld [smem:$0x3FFE];
	[sflag:s23] =	ssyncadd.s32 $0xFFFFFFFF  }
0xa6: {  	s26 =	simm.s32 $execute0_lowered;
	[smem:$0x3FD2] =	sst s25  }
0xa7: {  	s6 =	sshll.u32 s26, $0x1;
	_ =	strace $0x80000046;
	[dreg:$0x1] =	wrdreg $0xFFFFFFFF  }
0xa8: {  	s28 =	simm.s32 $_size_execute0_lowered;
	s4 =	sadd.s32 s4, s6;
	[dreg:$0x0] =	wrdreg $0x0  }
0xa9: {  	s6 =	sshll.u32 s28, $0x1;
	[dreg:$0x2] =	wrdreg s4  }
0xaa: {  	[dreg:$0x3] =	wrdreg s6  }
0xab: {  	[dreg:$0x4] =	wrdreg $0xC0  }
0xac: {  	_ =	task [dreg:s8], $0x5FFFF  }
0xad: {  	[dreg:$0x1] =	wrdreg $0xFFFFFFFF  }
0xae: {  	[dreg:$0x0] =	wrdreg $0x60  }
0xaf: {  	[dreg:$0x2] =	wrdreg s2  }
0xb0: {  	[dreg:$0x3] =	wrdreg s24  }
0xb1: {  	[dreg:$0x4] =	wrdreg s18  }
0xb2: {  	[dreg:$0x5] =	wrdreg $0x9  }
0xb3: {  	_ =	task.clear_ibuf [dreg:s8], $0x6FFFF;
	_ =	strace $0x90000046  }
0xb4: {  	s29 =	simm.s32 $0x9;
	_ =	strace $0x80000048  }
0xb5: {  	_ =	swait.ge [sflag:s29], $0x1  }
0xb6: {  	[sflag:s29] =	ssyncadd.s32 $0xFFFFFFFF  }
0xb7: {  	_ =	strace $0x90000048  }
0xb8: {  	_ =	sfence  }
0xb9: {  	s30 =	sld [smem:$0x0];
	_ =	sdelay $0x2  }
0xba: {  	s31 =	sshll.u32 s1, $0xD;
	s1 =	sshrl.u32 s1, $0x2  }
0xbb: {  	s3 =	sand.u32 $0x4000, s31;
	s1 =	sadd.s32 s1, s30  }
0xbc: {  	s0 =	sor.u32 s3, s0;
	s1 =	sshll.u32 s1, $0x11  }
0xbd: {  	s0 =	sor.u32 s1, s0  }
0xbe: {  	s0 =	sadd.s32 $0x8F2B, s0  }
0xbf: {  	[sflag:s0] =	ssyncadd.remote.s32 $0x1  }
0xc0: {  	_ =	sfence.sel $0xFFFF  }
0xc1: {  	[dreg:$0x0] =	wrdreg $0xFFFFFFFF;
	(pc) =	sbr.abs _section_cstart, $3  }
0xc2: {  	[dreg:$0x1] =	wrdreg $0xFFFFFFFF  }
0xc3: {  	_ =	task.clear_ibuf [dreg:s8], $0x2FFFF;
	_ =	strace $0x9FFFFFFF  }
0xc4: {  	(tm) =	ssettm $0x7FFFFFFF  }
0xc5: {  	_ =	shalt  }
tec
execute0_lowered:
.L_overlay_start_1:
0x0: {  	(tag) =	ssettag $0x1  }
0x1: {  	s1 =	rddreg [dreg:$0x0]  }
0x2: {  	s0 =	rddreg [dreg:$0x1]  }
0x3: {  	s2 =	srdreg.scid;
	s9 =	stileid.u32  }
0x4: {  	s3 =	rddreg [dreg:$0x2];
	s4 =	simm.s32 $0x0;
	s13 =	simm.s32 $0x80  }
0x5: {  	s14 =	simm.s32 $0x6400;
	s15 =	simm.s32 $0xA400;
	s17 =	simm.s32 $0xE400  }
0x6: {  	s19 =	simm.s32 $0x12400;
	s28 =	simm.s32 $0x8;
	s8 =	smul.u32 $0x190, s9  }
0x7: {  	s29 =	simm.s32 $0x4;
	s2 =	sand.u32 $0x1, s2;
	s10 =	smul.u32 $0xC8000, s9  }
0x8: {  	s30 =	simm.s32 $0x9;
	s5 =	sshll.u32 s9, $0x1;
	s23 =	smul.u32 $0xC8, s2  }
0x9: {  	s5 =	sor.u32 s2, s5;
	s7 =	ssub.s32 $0x2, s2;
	s2 =	smul.u32 $0x64000, s2  }
0xa: {  	s31 =	simm.s32 $0x5;
	[smem:$0x7FF] =	sst s4;
	s6 =	smul.u32 $0xC80, s5  }
0xb: {  	_ =	strace $0x80000047;
	s5 =	smul.u32 $0x320000, s5;
	s21 =	sshrl.u32 s7, $0x1  }
0xc: {  	s11 =	ssub.s32 s7, s21;
	s26 =	sadd.s32 s23, s8;
	s2 =	sadd.s32 s2, s10  }
0xd: {  	s21 =	simm.s32 $0x16400;
	s23 =	simm.s32 $0x6;
	s0 =	sadd.s32 s6, s0  }
0xe: {  	s22 =	sshrl.u32 s5, $0x3;
	s12 =	sshll.u32 s26, $0xB;
	s11 =	smax.u32 s11, $0x1  }
0xf: {  	[dreg:$0x5] =	wrdreg s2;
	s26 =	simm.s32 $0x3;
	s2 =	simm.s32 $0xA  }
0x10: {  	s0 =	sadd.s32 $0x400, s0;
	s24 =	sadd.s32 s3, s22;
	[dreg:$0x4] =	wrdreg s12  }
0x11: {  	s12 =	simm.s32 $0xB;
	s22 =	simm.s32 $0x1;
	[dreg:$0x6] =	wrdreg s0  }
0x12: {  	s25 =	sadd.s32 $0x61800, s24;
	s7 =	sadd.s32 $0x62000, s24;
	s8 =	sadd.s32 $0x62800, s24  }
0x13: {  	s9 =	sadd.s32 $0x63000, s24;
	s10 =	sadd.s32 $0x63800, s24;
	s24 =	simm.s32 $0x2  }
0x14: {  	s0 =	simm.s32 $0x0;
	[dreg:$0x7] =	wrdreg s25;
	s25 =	simm.s32 $0x7  }
.LBB2_1:
0x15: {  	s5 =	rddreg [dreg:$0x6]  }
0x16: {  	[tilespmem:s4], [sflag:$0xB] =	stream.linear.gather [hbm4b:s5+s4], $0x6400, $0x38;
	[tilespmem:$0x1A400] =	vst v63  }
0x17: {  	_ =	swait.ge [sflag:s12], $0x6400  }
0x18: {  	[sflag:s12] =	ssyncset.done $0x0  }
0x19: {  	[sflag:s12] =	ssyncadd.s32 $0xFFFF9C00  }
0x1a: {  	[tilespmem:s14], [sflag:$0x1] =	stream.indirect.gather [hbm4b:s1+s13], $0x80, s4, s13, $0xb8;
	[tilespmem:$0x1A400] =	vst v63  }
0x1b: {  	_ = 	snop  }
0x1c: {  	[tilespmem:s15], [sflag:$0x2] =	stream.indirect.gather [hbm4b:s1+s13], $0x80, s13, s13, $0xb8;
	[tilespmem:$0x1A400] =	vst v63  }
0x1d: {  	s6 =	simm.s32 $0x100  }
0x1e: {  	[tilespmem:s17], [sflag:$0x3] =	stream.indirect.gather [hbm4b:s1+s13], $0x80, s6, s13, $0xb8;
	[tilespmem:$0x1A400] =	vst v63  }
0x1f: {  	s16 =	simm.s32 $0x180  }
0x20: {  	[tilespmem:s19], [sflag:$0x4] =	stream.indirect.gather [hbm4b:s1+s13], $0x80, s16, s13, $0xb8;
	[tilespmem:$0x1A400] =	vst v63  }
0x21: {  	s18 =	simm.s32 $0x200  }
0x22: {  	[tilespmem:s21], [sflag:$0x5] =	stream.indirect.gather [hbm4b:s1+s13], $0x80, s18, s13, $0xb8;
	[tilespmem:$0x1A400] =	vst v63  }
0x23: {  	_ =	swait.ge [sflag:s22], $0x4000  }
0x24: {  	s16 =	rddreg [dreg:$0x5];
	[sflag:s22] =	ssyncset.done $0x0  }
0x25: {  	[sflag:s22] =	ssyncadd.s32 $0xFFFFC000;
	s16 =	sadd.s32 s3, s16  }
0x26: {  	[hbm4b:s16+s4] =	stream.linear.scatter [tilespmem:s14], [sflag:$0x6], $0x4000, $0x38;
	[tilespmem:$0x1A400] =	vst v63  }
0x27: {  	_ =	swait.ge [sflag:s23], $0x4000  }
0x28: {  	[sflag:s23] =	ssyncset.done $0x0  }
0x29: {  	s20 =	simm.s32 $0x280;
	[sflag:s23] =	ssyncadd.s32 $0xFFFFC000  }
0x2a: {  	[tilespmem:s14], [sflag:$0x1] =	stream.indirect.gather [hbm4b:s1+s13], $0x80, s20, s13, $0xb8;
	[tilespmem:$0x1A400] =	vst v63  }
0x2b: {  	_ =	swait.ge [sflag:s24], $0x4000  }
0x2c: {  	s5 =	rddreg [dreg:$0x4]  }
0x2d: {  	[sflag:s24] =	ssyncset.done $0x0;
	s16 =	sadd.s32 s3, s5  }
0x2e: {  	[sflag:s24] =	ssyncadd.s32 $0xFFFFC000;
	s18 =	sadd.s32 $0x800, s16  }
0x2f: {  	[hbm4b:s18+s4] =	stream.linear.scatter [tilespmem:s15], [sflag:$0x7], $0x4000, $0x38;
	[tilespmem:$0x1A400] =	vst v63  }
0x30: {  	_ =	swait.ge [sflag:s25], $0x4000  }
0x31: {  	[sflag:s25] =	ssyncset.done $0x0  }
0x32: {  	s6 =	simm.s32 $0x300;
	[sflag:s25] =	ssyncadd.s32 $0xFFFFC000  }
0x33: {  	[tilespmem:s15], [sflag:$0x2] =	stream.indirect.gather [hbm4b:s1+s13], $0x80, s6, s13, $0xb8;
	[tilespmem:$0x1A400] =	vst v63  }
0x34: {  	_ =	swait.ge [sflag:s26], $0x4000  }
0x35: {  	[sflag:s26] =	ssyncset.done $0x0  }
0x36: {  	s20 =	sadd.s32 $0x1000, s16;
	[sflag:s26] =	ssyncadd.s32 $0xFFFFC000  }
0x37: {  	[hbm4b:s20+s4] =	stream.linear.scatter [tilespmem:s17], [sflag:$0x8], $0x4000, $0x38;
	[tilespmem:$0x1A400] =	vst v63  }
0x38: {  	_ =	swait.ge [sflag:s28], $0x4000  }
0x39: {  	[sflag:s28] =	ssyncset.done $0x0  }
0x3a: {  	s5 =	simm.s32 $0x380;
	[sflag:s28] =	ssyncadd.s32 $0xFFFFC000  }
0x3b: {  	[tilespmem:s17], [sflag:$0x3] =	stream.indirect.gather [hbm4b:s1+s13], $0x80, s5, s13, $0xb8;
	[tilespmem:$0x1A400] =	vst v63  }
0x3c: {  	_ =	swait.ge [sflag:s29], $0x4000  }
0x3d: {  	[sflag:s29] =	ssyncset.done $0x0  }
0x3e: {  	s6 =	sadd.s32 $0x1800, s16;
	[sflag:s29] =	ssyncadd.s32 $0xFFFFC000  }
0x3f: {  	[hbm4b:s6+s4] =	stream.linear.scatter [tilespmem:s19], [sflag:$0x9], $0x4000, $0x38;
	[tilespmem:$0x1A400] =	vst v63  }
0x40: {  	_ =	swait.ge [sflag:s30], $0x4000  }
0x41: {  	[sflag:s30] =	ssyncset.done $0x0  }
0x42: {  	s20 =	simm.s32 $0x400;
	[sflag:s30] =	ssyncadd.s32 $0xFFFFC000  }
0x43: {  	[tilespmem:s19], [sflag:$0x4] =	stream.indirect.gather [hbm4b:s1+s13], $0x80, s20, s13, $0xb8;
	[tilespmem:$0x1A400] =	vst v63  }
0x44: {  	_ =	swait.ge [sflag:s31], $0x4000  }
0x45: {  	[sflag:s31] =	ssyncset.done $0x0  }
0x46: {  	s16 =	sadd.s32 $0x2000, s16;
	[sflag:s31] =	ssyncadd.s32 $0xFFFFC000  }
0x47: {  	[hbm4b:s16+s4] =	stream.linear.scatter [tilespmem:s21], [sflag:$0xA], $0x4000, $0x38;
	[tilespmem:$0x1A400] =	vst v63  }
0x48: {  	_ =	swait.ge [sflag:s2], $0x4000  }
0x49: {  	s18 =	sadd.s32 $0x2800, s3;
	[sflag:s2] =	ssyncset.done $0x0  }
0x4a: {  	s20 =	simm.s32 $0x480;
	s16 =	simm.s32 $0xA00;
	[sflag:s2] =	ssyncadd.s32 $0xFFFFC000  }
.LBB2_2:
0x4b: {  	[tilespmem:s21], [sflag:$0x5] =	stream.indirect.gather [hbm4b:s1+s13], $0x80, s20, s13, $0xb8;
	[tilespmem:$0x1A400] =	vst v63  }
0x4c: {  	_ =	swait.ge [sflag:s22], $0x4000  }
0x4d: {  	s5 =	rddreg [dreg:$0x5];
	[sflag:s22] =	ssyncset.done $0x0  }
0x4e: {  	[sflag:s22] =	ssyncadd.s32 $0xFFFFC000;
	s5 =	sadd.s32 s18, s5  }
0x4f: {  	[hbm4b:s5+s4] =	stream.linear.scatter [tilespmem:s14], [sflag:$0x6], $0x4000, $0x38;
	[tilespmem:$0x1A400] =	vst v63  }
0x50: {  	s6 =	smov.u32 s16;
	_ =	swait.ge [sflag:s23], $0x4000  }
0x51: {  	s20 =	sshra.s32 s6, $0x2;
	[sflag:s23] =	ssyncset.done $0x0  }
0x52: {  	s6 =	sadd.s32 $0x280, s20;
	[sflag:s23] =	ssyncadd.s32 $0xFFFFC000  }
0x53: {  	[tilespmem:s14], [sflag:$0x1] =	stream.indirect.gather [hbm4b:s1+s13], $0x80, s6, s13, $0xb8;
	[tilespmem:$0x1A400] =	vst v63  }
0x54: {  	_ =	swait.ge [sflag:s24], $0x4000  }
0x55: {  	s6 =	rddreg [dreg:$0x4]  }
0x56: {  	[sflag:s24] =	ssyncset.done $0x0;
	s5 =	sadd.s32 s18, s6  }
0x57: {  	[sflag:s24] =	ssyncadd.s32 $0xFFFFC000;
	s6 =	sadd.s32 $0x800, s5  }
0x58: {  	[hbm4b:s6+s4] =	stream.linear.scatter [tilespmem:s15], [sflag:$0x7], $0x4000, $0x38;
	[tilespmem:$0x1A400] =	vst v63  }
0x59: {  	_ =	swait.ge [sflag:s25], $0x4000  }
0x5a: {  	[sflag:s25] =	ssyncset.done $0x0  }
0x5b: {  	s6 =	sadd.s32 $0x300, s20;
	[sflag:s25] =	ssyncadd.s32 $0xFFFFC000  }
0x5c: {  	[tilespmem:s15], [sflag:$0x2] =	stream.indirect.gather [hbm4b:s1+s13], $0x80, s6, s13, $0xb8;
	[tilespmem:$0x1A400] =	vst v63  }
0x5d: {  	_ =	swait.ge [sflag:s26], $0x4000  }
0x5e: {  	[sflag:s26] =	ssyncset.done $0x0  }
0x5f: {  	s6 =	sadd.s32 $0x1000, s5;
	[sflag:s26] =	ssyncadd.s32 $0xFFFFC000  }
0x60: {  	[hbm4b:s6+s4] =	stream.linear.scatter [tilespmem:s17], [sflag:$0x8], $0x4000, $0x38;
	[tilespmem:$0x1A400] =	vst v63  }
0x61: {  	_ =	swait.ge [sflag:s28], $0x4000  }
0x62: {  	[sflag:s28] =	ssyncset.done $0x0  }
0x63: {  	s6 =	sadd.s32 $0x380, s20;
	[sflag:s28] =	ssyncadd.s32 $0xFFFFC000  }
0x64: {  	[tilespmem:s17], [sflag:$0x3] =	stream.indirect.gather [hbm4b:s1+s13], $0x80, s6, s13, $0xb8;
	[tilespmem:$0x1A400] =	vst v63  }
0x65: {  	_ =	swait.ge [sflag:s29], $0x4000  }
0x66: {  	[sflag:s29] =	ssyncset.done $0x0  }
0x67: {  	s6 =	sadd.s32 $0x1800, s5;
	[sflag:s29] =	ssyncadd.s32 $0xFFFFC000  }
0x68: {  	[hbm4b:s6+s4] =	stream.linear.scatter [tilespmem:s19], [sflag:$0x9], $0x4000, $0x38;
	[tilespmem:$0x1A400] =	vst v63  }
0x69: {  	_ =	swait.ge [sflag:s30], $0x4000  }
0x6a: {  	[sflag:s30] =	ssyncset.done $0x0  }
0x6b: {  	s6 =	sadd.s32 $0x400, s20;
	[sflag:s30] =	ssyncadd.s32 $0xFFFFC000  }
0x6c: {  	[tilespmem:s19], [sflag:$0x4] =	stream.indirect.gather [hbm4b:s1+s13], $0x80, s6, s13, $0xb8;
	[tilespmem:$0x1A400] =	vst v63  }
0x6d: {  	_ =	swait.ge [sflag:s31], $0x4000  }
0x6e: {  	p0 =	sne.s32 s16, $0x17C00;
	[sflag:s31] =	ssyncset.done $0x0  }
.Ltmp0:
0x6f: {  	s5 =	sadd.s32 $0x2000, s5;
	[sflag:s31] =	ssyncadd.s32 $0xFFFFC000;
	(pc) =	sbr.rel @p0 .LBB2_2-.Ltmp0, $4  }
0x70: {  	[hbm4b:s5+s4] =	stream.linear.scatter [tilespmem:s21], [sflag:$0xA], $0x4000, $0x38;
	[tilespmem:$0x1A400] =	vst v63  }
0x71: {  	_ =	swait.ge [sflag:s2], $0x4000  }
0x72: {  	s16 =	sadd.s32 $0xA00, s16;
	[sflag:s2] =	ssyncset.done $0x0  }
0x73: {  	s18 =	sadd.s32 $0x2800, s18;
	s20 =	sadd.s32 $0x480, s20;
	[sflag:s2] =	ssyncadd.s32 $0xFFFFC000  }
0x74: {  	[tilespmem:s21], [sflag:$0x5] =	stream.indirect.gather [hbm4b:s1+s13], $0x80, s20, s13, $0xb8;
	[tilespmem:$0x1A400] =	vst v63  }
0x75: {  	_ =	swait.ge [sflag:s22], $0x4000  }
0x76: {  	[sflag:s22] =	ssyncset.done $0x0  }
0x77: {  	s5 =	rddreg [dreg:$0x7];
	[sflag:s22] =	ssyncadd.s32 $0xFFFFC000  }
0x78: {  	[hbm4b:s5+s4] =	stream.linear.scatter [tilespmem:s14], [sflag:$0x6], $0x4000, $0x38;
	[tilespmem:$0x1A400] =	vst v63  }
0x79: {  	_ =	swait.ge [sflag:s24], $0x4000  }
0x7a: {  	[sflag:s24] =	ssyncset.done $0x0  }
0x7b: {  	[sflag:s24] =	ssyncadd.s32 $0xFFFFC000  }
0x7c: {  	[hbm4b:s7+s4] =	stream.linear.scatter [tilespmem:s15], [sflag:$0x7], $0x4000, $0x38;
	[tilespmem:$0x1A400] =	vst v63  }
0x7d: {  	_ =	swait.ge [sflag:s26], $0x4000  }
0x7e: {  	[sflag:s26] =	ssyncset.done $0x0  }
0x7f: {  	[sflag:s26] =	ssyncadd.s32 $0xFFFFC000  }
0x80: {  	[hbm4b:s8+s4] =	stream.linear.scatter [tilespmem:s17], [sflag:$0x8], $0x4000, $0x38;
	[tilespmem:$0x1A400] =	vst v63  }
0x81: {  	_ =	swait.ge [sflag:s29], $0x4000  }
0x82: {  	[sflag:s29] =	ssyncset.done $0x0  }
0x83: {  	[sflag:s29] =	ssyncadd.s32 $0xFFFFC000  }
0x84: {  	[hbm4b:s9+s4] =	stream.linear.scatter [tilespmem:s19], [sflag:$0x9], $0x4000, $0x38;
	[tilespmem:$0x1A400] =	vst v63  }
0x85: {  	_ =	swait.ge [sflag:s31], $0x4000  }
0x86: {  	[sflag:s31] =	ssyncset.done $0x0  }
0x87: {  	[sflag:s31] =	ssyncadd.s32 $0xFFFFC000  }
0x88: {  	[hbm4b:s10+s4] =	stream.linear.scatter [tilespmem:s21], [sflag:$0xA], $0x4000, $0x38;
	[tilespmem:$0x1A400] =	vst v63  }
0x89: {  	_ =	swait.ge [sflag:s23], $0x4000  }
0x8a: {  	[sflag:s23] =	ssyncset.done $0x0  }
0x8b: {  	[sflag:s23] =	ssyncadd.s32 $0xFFFFC000  }
0x8c: {  	_ =	swait.ge [sflag:s25], $0x4000  }
0x8d: {  	[sflag:s25] =	ssyncset.done $0x0  }
0x8e: {  	[sflag:s25] =	ssyncadd.s32 $0xFFFFC000  }
0x8f: {  	_ =	swait.ge [sflag:s28], $0x4000  }
0x90: {  	[sflag:s28] =	ssyncset.done $0x0  }
0x91: {  	s0 =	sadd.s32 $0x1, s0;
	[sflag:s28] =	ssyncadd.s32 $0xFFFFC000  }
0x92: {  	p0 =	sne.s32 s0, s11;
	_ =	swait.ge [sflag:s30], $0x4000  }
.Ltmp1:
0x93: {  	[sflag:s30] =	ssyncset.done $0x0;
	(pc) =	sbr.rel @p0 .LBB2_1-.Ltmp1, $4  }
0x94: {  	[sflag:s30] =	ssyncadd.s32 $0xFFFFC000  }
0x95: {  	_ =	swait.ge [sflag:s2], $0x4000  }
0x96: {  	[sflag:s2] =	ssyncset.done $0x0  }
0x97: {  	[sflag:s2] =	ssyncadd.s32 $0xFFFFC000  }
0x98: {  	_ =	sfence.sel $0x180000  }
0x99: {  	[bflag:$0x0] =	sbarrier.arrive $0xFFFF  }
0x9a: {  	_ =	strace $0x90000047  }
0x9b: {  	s0 =	stileid.u32;
	[bflag:$0x2] =	sbarrier.arrive $0xFFFF  }
0x9c: {  	p0 =	sne.s32 s0, $0x0;
	s0 =	rddreg [dreg:$0x3]  }
0x9d: {  	s0 =	sadd.s32 @!p0 $0x100000, s0  }
0x9e: {  	[sflag:s0] =	ssyncadd.tile.s32 @!p0 $0x1;
	_ =	shalt  }
.Lfunc_end2:
_tile_overlayer_lowered:
.L_overlay_start_2:
0x9f: {  	(tag) =	ssettag $0x2  }
0xa0: {  	s0 =	rddreg [dreg:$0x0];
	s2 =	stileid.u32  }
0xa1: {  	s1 =	rddreg [dreg:$0x1];
	p0 =	sne.s32 s2, $0x0  }
0xa2: {  	s3 =	rddreg [dreg:$0x2];
	[bflag:$0x3] =	sbarrier.arrive $0xFFFF;
	s2 =	simm.s32 @!p0 $0x1C0B  }
0xa3: {  	[timem:s3], [sflag:s2] =	dma.local @!p0 [hbm:s0], s1  }
0xa4: {  	s0 =	simm.s32 @!p0 $0xB  }
0xa5: {  	_ =	swait.ge @!p0 [sflag:s0], s1  }
0xa6: {  	s1 =	ssub.s32 @!p0 $0x0, s1;
	[sflag:s0] =	ssyncset.done @!p0 $0x0  }
0xa7: {  	[sflag:s0] =	ssyncadd.s32 @!p0 s1  }
0xa8: {  	[bflag:$0x3] =	sbarrier.arrive $0xFFFF  }
0xa9: {  	_ =	shalt  }

</sc_bundles>
